<compile_context>
chip_gen: v7x
topology: tpu7x:2x2x1
jax: 0.10.2.dev20260603
libtpu: 0.0.44.dev20260713+nightly
codegen_flags: <defaults>
</compile_context>

<pallas_src>
import functools

import jax
import jax.numpy as jnp
from jax import lax
from jax.experimental import pallas as pl
from jax.experimental.pallas import tpu as pltpu
from jax.experimental.pallas import tpu_sc as plsc

_LANES = 128
_K = 5


@functools.lru_cache(maxsize=None)
def _build(n_idx, vocab, dim):
    info = plsc.get_sparse_core_info()
    nc, ns = info.num_cores, info.num_subcores
    nw = nc * ns
    rows_total = n_idx // _LANES
    rows_per_w = rows_total // nw
    nchunk = rows_per_w // _K
    npair = nchunk // 2

    mesh = plsc.VectorSubcoreMesh(core_axis_name="c", subcore_axis_name="s")

    @functools.partial(
        pl.kernel,
        mesh=mesh,
        out_type=jax.ShapeDtypeStruct((rows_total, _LANES, dim), jnp.float32),
        scratch_types=[
            pltpu.VMEM((rows_per_w, _LANES), jnp.int32),
            pltpu.VMEM((_K, _LANES, dim), jnp.float32),
            pltpu.VMEM((_K, _LANES, dim), jnp.float32),
            pltpu.SemaphoreType.DMA,
            pltpu.SemaphoreType.DMA,
        ],
        compiler_params=pltpu.CompilerParams(use_tc_tiling_on_sc=False),
    )
    def emb(idx_hbm, table_hbm, out_hbm, idx_v, rows0, rows1, sem0, sem1):
        wid = lax.axis_index("s") * nc + lax.axis_index("c")
        row0 = wid * rows_per_w
        pltpu.sync_copy(idx_hbm.at[pl.ds(row0, rows_per_w)], idx_v)

        def fire(chunk, buf, sem):
            for j in range(_K):
                pltpu.async_copy(
                    table_hbm.at[idx_v.at[chunk * _K + j]], buf.at[j], sem)

        def drain(chunk, buf, sem):
            for j in range(_K):
                pltpu.make_async_copy(
                    table_hbm.at[idx_v.at[chunk * _K + j]], buf.at[j],
                    sem).wait()

        def put(chunk, buf):
            pltpu.sync_copy(buf, out_hbm.at[pl.ds(row0 + chunk * _K, _K)])

        fire(0, rows0, sem0)

        def pair(p, _):
            c0 = p * 2
            drain(c0, rows0, sem0)
            fire(c0 + 1, rows1, sem1)
            put(c0, rows0)
            drain(c0 + 1, rows1, sem1)

            @pl.when(p + 1 < npair)
            def _():
                fire(c0 + 2, rows0, sem0)

            put(c0 + 1, rows1)
            return 0

        lax.fori_loop(0, npair, pair, 0)

    return emb


def kernel(inputs, table):
    seq, batch = inputs.shape
    vocab, dim = table.shape
    n_idx = seq * batch
    flat_idx = inputs.reshape(n_idx // _LANES, _LANES)
    out = _build(n_idx, vocab, dim)(flat_idx, table)
    return out.reshape(seq, batch, dim)

# --- scband reference (transcript-rebuilt; emitter-appended) ---
"""Pipeline reference for scband-embeddings-15753940041875 (READ-ONLY COPY).

The authoritative reference and input builder live on the scoring server;
editing this copy changes nothing except your own understanding.
"""

import jax, jax.numpy as jnp
import numpy as np

VOCAB = 1000000
DIM = 64
PAD = 0
L = 200
B = 4096

def setup_inputs(seed: int = 0) -> dict:
    key = jax.random.key(seed)
    k1, k2 = jax.random.split(key)
    inputs = jax.random.randint(k1, (L, B), 0, VOCAB, dtype=jnp.int32)
    table = jax.random.normal(k2, (VOCAB, DIM), dtype=jnp.float32)
    # nn.Embedding with padding_idx initializes that row to zero
    table = table.at[PAD].set(0.0)
    return {"inputs": inputs, "table": table}

def reference(inputs, table):
    # word lookup: [len, batch] -> [len, batch, embedding_size]
    emb = jnp.take(table, inputs, axis=0)
    # dropout in eval mode is identity
    return emb

if __name__ == "__main__":
    import jax
    _d = setup_inputs()
    print(jax.jit(kernel)(*tuple(_d.values())))

</pallas_src>

<mosaic_0001>
#map = affine_map<(d0, d1) -> (0, 0)>
#map1 = affine_map<(d0, d1) -> (0, 0, 0)>
module attributes {stable_mosaic.version = 14 : i64} {
  func.func @emb(%arg0: i32, %arg1: i32, %arg2: memref<6400x128xi32, #tpu.memory_space<hbm>>, %arg3: memref<1000000x64xf32, #tpu.memory_space<hbm>>, %arg4: memref<6400x128x64xf32, #tpu.memory_space<hbm>>, %arg5: memref<200x128xi32, #tpu.memory_space<vmem>>, %arg6: memref<5x128x64xf32, #tpu.memory_space<vmem>>, %arg7: memref<5x128x64xf32, #tpu.memory_space<vmem>>, %arg8: memref<!tpu.dma_semaphore, #tpu.memory_space<semaphore_mem>>, %arg9: memref<!tpu.dma_semaphore, #tpu.memory_space<semaphore_mem>>) attributes {dimension_semantics = [#tpu.dimension_semantics<core_parallel>, #tpu.dimension_semantics<subcore_parallel>], iteration_bounds = array<i64: 2, 16>, scalar_prefetch = 0 : i64, scratch_operands = 5 : i64, tpu.core_type = #tpu.core_type<sc_vector_subcore>, window_params = [{transform_indices = #map}, {transform_indices = #map}, {transform_indices = #map1}]} {
    %mul3A = arith.constant 2 : i32
    %mul3A_0 = arith.muli %arg1, %mul3A : i32
    %add3A = arith.addi %mul3A_0, %arg0 : i32
    %mul3A_1 = arith.constant 200 : i32
    %mul3A_2 = arith.muli %add3A, %mul3A_1 : i32
    "tpu.region"() ({
      %run_scoped3A = tpu.sem_alloc : memref<!tpu.dma_semaphore, #tpu.memory_space<semaphore_mem>>
      %dma_start3A_68 = arith.constant 0 : i32
      %dma_start3A_69 = tpu.memref_slice %arg2[%mul3A_2, %dma_start3A_68] : memref<6400x128xi32, #tpu.memory_space<hbm>> -> memref<200x128xi32, #tpu.memory_space<hbm>>
      %dma_start3A_70 = arith.constant 0 : i32
      %dma_start3A_71 = tpu.memref_slice %arg2[%mul3A_2, %dma_start3A_70] : memref<6400x128xi32, #tpu.memory_space<hbm>> -> memref<200x128xi32, #tpu.memory_space<hbm>>
      tpu.enqueue_dma source(%dma_start3A_71 : memref<200x128xi32, #tpu.memory_space<hbm>>) target(%arg5 : memref<200x128xi32, #tpu.memory_space<vmem>>) target_semaphore(%run_scoped3A : memref<!tpu.dma_semaphore, #tpu.memory_space<semaphore_mem>>)
      %dma_wait3A = arith.constant 0 : i32
      %dma_wait3A_72 = tpu.memref_slice %arg2[%mul3A_2, %dma_wait3A] : memref<6400x128xi32, #tpu.memory_space<hbm>> -> memref<200x128xi32, #tpu.memory_space<hbm>>
      %dma_wait3A_73 = arith.constant 0 : i32
      %dma_wait3A_74 = tpu.memref_slice %arg2[%mul3A_2, %dma_wait3A_73] : memref<6400x128xi32, #tpu.memory_space<hbm>> -> memref<200x128xi32, #tpu.memory_space<hbm>>
      tpu.wait_dma2 semaphore(%run_scoped3A : memref<!tpu.dma_semaphore, #tpu.memory_space<semaphore_mem>>) src(%dma_wait3A_74 : memref<200x128xi32, #tpu.memory_space<hbm>>) dst(%arg5 : memref<200x128xi32, #tpu.memory_space<vmem>>)
      tpu.yield
    }) : () -> ()
    %dma_start3A = arith.constant 0 : i32
    %dma_start3A_3 = arith.constant 0 : i32
    %dma_start3A_4 = arith.constant 0 : i32
    %dma_start3A_5 = arith.constant 0 : i32
    %dma_start3A_6 = tpu.memref_slice %arg6[%dma_start3A_3, %dma_start3A_4, %dma_start3A_5] : memref<5x128x64xf32, #tpu.memory_space<vmem>> -> memref<1x128x64xf32, #tpu.memory_space<vmem>>
    %dma_start3A_7 = tpu.memref_squeeze %dma_start3A_6 : memref<1x128x64xf32, #tpu.memory_space<vmem>> -> memref<128x64xf32, #tpu.memory_space<vmem>>
    %dma_start3A_8 = arith.constant 0 : i32
    %dma_start3A_9 = tpu.memref_slice %arg5[%dma_start3A, %dma_start3A_8] : memref<200x128xi32, #tpu.memory_space<vmem>> -> memref<1x128xi32, #tpu.memory_space<vmem>>
    %dma_start3A_10 = tpu.memref_squeeze %dma_start3A_9 : memref<1x128xi32, #tpu.memory_space<vmem>> -> memref<128xi32, #tpu.memory_space<vmem>>
    %dma_start3A_11 = arith.constant 0 : i32
    %dma_start3A_12 = arith.constant 0 : i32
    %dma_start3A_13 = tpu.memref_slice %arg3[%dma_start3A_11, %dma_start3A_12] : memref<1000000x64xf32, #tpu.memory_space<hbm>> -> memref<1000000x64xf32, #tpu.memory_space<hbm>>
    tpu.enqueue_indirect_dma source(%dma_start3A_13 : memref<1000000x64xf32, #tpu.memory_space<hbm>>) target(%dma_start3A_7 : memref<128x64xf32, #tpu.memory_space<vmem>>) offsets(%dma_start3A_10 : memref<128xi32, #tpu.memory_space<vmem>>) semaphore(%arg8 : memref<!tpu.dma_semaphore, #tpu.memory_space<semaphore_mem>>)
    %dma_start3A_14 = arith.constant 1 : i32
    %dma_start3A_15 = arith.constant 1 : i32
    %dma_start3A_16 = arith.constant 0 : i32
    %dma_start3A_17 = arith.constant 0 : i32
    %dma_start3A_18 = tpu.memref_slice %arg6[%dma_start3A_15, %dma_start3A_16, %dma_start3A_17] : memref<5x128x64xf32, #tpu.memory_space<vmem>> -> memref<1x128x64xf32, #tpu.memory_space<vmem>>
    %dma_start3A_19 = tpu.memref_squeeze %dma_start3A_18 : memref<1x128x64xf32, #tpu.memory_space<vmem>> -> memref<128x64xf32, #tpu.memory_space<vmem>>
    %dma_start3A_20 = arith.constant 0 : i32
    %dma_start3A_21 = tpu.memref_slice %arg5[%dma_start3A_14, %dma_start3A_20] : memref<200x128xi32, #tpu.memory_space<vmem>> -> memref<1x128xi32, #tpu.memory_space<vmem>>
    %dma_start3A_22 = tpu.memref_squeeze %dma_start3A_21 : memref<1x128xi32, #tpu.memory_space<vmem>> -> memref<128xi32, #tpu.memory_space<vmem>>
    %dma_start3A_23 = arith.constant 0 : i32
    %dma_start3A_24 = arith.constant 0 : i32
    %dma_start3A_25 = tpu.memref_slice %arg3[%dma_start3A_23, %dma_start3A_24] : memref<1000000x64xf32, #tpu.memory_space<hbm>> -> memref<1000000x64xf32, #tpu.memory_space<hbm>>
    tpu.enqueue_indirect_dma source(%dma_start3A_25 : memref<1000000x64xf32, #tpu.memory_space<hbm>>) target(%dma_start3A_19 : memref<128x64xf32, #tpu.memory_space<vmem>>) offsets(%dma_start3A_22 : memref<128xi32, #tpu.memory_space<vmem>>) semaphore(%arg8 : memref<!tpu.dma_semaphore, #tpu.memory_space<semaphore_mem>>)
    %dma_start3A_26 = arith.constant 2 : i32
    %dma_start3A_27 = arith.constant 2 : i32
    %dma_start3A_28 = arith.constant 0 : i32
    %dma_start3A_29 = arith.constant 0 : i32
    %dma_start3A_30 = tpu.memref_slice %arg6[%dma_start3A_27, %dma_start3A_28, %dma_start3A_29] : memref<5x128x64xf32, #tpu.memory_space<vmem>> -> memref<1x128x64xf32, #tpu.memory_space<vmem>>
    %dma_start3A_31 = tpu.memref_squeeze %dma_start3A_30 : memref<1x128x64xf32, #tpu.memory_space<vmem>> -> memref<128x64xf32, #tpu.memory_space<vmem>>
    %dma_start3A_32 = arith.constant 0 : i32
    %dma_start3A_33 = tpu.memref_slice %arg5[%dma_start3A_26, %dma_start3A_32] : memref<200x128xi32, #tpu.memory_space<vmem>> -> memref<1x128xi32, #tpu.memory_space<vmem>>
    %dma_start3A_34 = tpu.memref_squeeze %dma_start3A_33 : memref<1x128xi32, #tpu.memory_space<vmem>> -> memref<128xi32, #tpu.memory_space<vmem>>
    %dma_start3A_35 = arith.constant 0 : i32
    %dma_start3A_36 = arith.constant 0 : i32
    %dma_start3A_37 = tpu.memref_slice %arg3[%dma_start3A_35, %dma_start3A_36] : memref<1000000x64xf32, #tpu.memory_space<hbm>> -> memref<1000000x64xf32, #tpu.memory_space<hbm>>
    tpu.enqueue_indirect_dma source(%dma_start3A_37 : memref<1000000x64xf32, #tpu.memory_space<hbm>>) target(%dma_start3A_31 : memref<128x64xf32, #tpu.memory_space<vmem>>) offsets(%dma_start3A_34 : memref<128xi32, #tpu.memory_space<vmem>>) semaphore(%arg8 : memref<!tpu.dma_semaphore, #tpu.memory_space<semaphore_mem>>)
    %dma_start3A_38 = arith.constant 3 : i32
    %dma_start3A_39 = arith.constant 3 : i32
    %dma_start3A_40 = arith.constant 0 : i32
    %dma_start3A_41 = arith.constant 0 : i32
    %dma_start3A_42 = tpu.memref_slice %arg6[%dma_start3A_39, %dma_start3A_40, %dma_start3A_41] : memref<5x128x64xf32, #tpu.memory_space<vmem>> -> memref<1x128x64xf32, #tpu.memory_space<vmem>>
    %dma_start3A_43 = tpu.memref_squeeze %dma_start3A_42 : memref<1x128x64xf32, #tpu.memory_space<vmem>> -> memref<128x64xf32, #tpu.memory_space<vmem>>
    %dma_start3A_44 = arith.constant 0 : i32
    %dma_start3A_45 = tpu.memref_slice %arg5[%dma_start3A_38, %dma_start3A_44] : memref<200x128xi32, #tpu.memory_space<vmem>> -> memref<1x128xi32, #tpu.memory_space<vmem>>
    %dma_start3A_46 = tpu.memref_squeeze %dma_start3A_45 : memref<1x128xi32, #tpu.memory_space<vmem>> -> memref<128xi32, #tpu.memory_space<vmem>>
    %dma_start3A_47 = arith.constant 0 : i32
    %dma_start3A_48 = arith.constant 0 : i32
    %dma_start3A_49 = tpu.memref_slice %arg3[%dma_start3A_47, %dma_start3A_48] : memref<1000000x64xf32, #tpu.memory_space<hbm>> -> memref<1000000x64xf32, #tpu.memory_space<hbm>>
    tpu.enqueue_indirect_dma source(%dma_start3A_49 : memref<1000000x64xf32, #tpu.memory_space<hbm>>) target(%dma_start3A_43 : memref<128x64xf32, #tpu.memory_space<vmem>>) offsets(%dma_start3A_46 : memref<128xi32, #tpu.memory_space<vmem>>) semaphore(%arg8 : memref<!tpu.dma_semaphore, #tpu.memory_space<semaphore_mem>>)
    %dma_start3A_50 = arith.constant 4 : i32
    %dma_start3A_51 = arith.constant 4 : i32
    %dma_start3A_52 = arith.constant 0 : i32
    %dma_start3A_53 = arith.constant 0 : i32
    %dma_start3A_54 = tpu.memref_slice %arg6[%dma_start3A_51, %dma_start3A_52, %dma_start3A_53] : memref<5x128x64xf32, #tpu.memory_space<vmem>> -> memref<1x128x64xf32, #tpu.memory_space<vmem>>
    %dma_start3A_55 = tpu.memref_squeeze %dma_start3A_54 : memref<1x128x64xf32, #tpu.memory_space<vmem>> -> memref<128x64xf32, #tpu.memory_space<vmem>>
    %dma_start3A_56 = arith.constant 0 : i32
    %dma_start3A_57 = tpu.memref_slice %arg5[%dma_start3A_50, %dma_start3A_56] : memref<200x128xi32, #tpu.memory_space<vmem>> -> memref<1x128xi32, #tpu.memory_space<vmem>>
    %dma_start3A_58 = tpu.memref_squeeze %dma_start3A_57 : memref<1x128xi32, #tpu.memory_space<vmem>> -> memref<128xi32, #tpu.memory_space<vmem>>
    %dma_start3A_59 = arith.constant 0 : i32
    %dma_start3A_60 = arith.constant 0 : i32
    %dma_start3A_61 = tpu.memref_slice %arg3[%dma_start3A_59, %dma_start3A_60] : memref<1000000x64xf32, #tpu.memory_space<hbm>> -> memref<1000000x64xf32, #tpu.memory_space<hbm>>
    tpu.enqueue_indirect_dma source(%dma_start3A_61 : memref<1000000x64xf32, #tpu.memory_space<hbm>>) target(%dma_start3A_55 : memref<128x64xf32, #tpu.memory_space<vmem>>) offsets(%dma_start3A_58 : memref<128xi32, #tpu.memory_space<vmem>>) semaphore(%arg8 : memref<!tpu.dma_semaphore, #tpu.memory_space<semaphore_mem>>)
    %scan3A = arith.constant 0 : i32
    %scan3A_62 = arith.constant 0 : i32
    %scan3A_63 = arith.constant 20 : i32
    %scan3A_64 = arith.addi %scan3A_62, %scan3A_63 : i32
    %scan3A_65 = arith.constant 1 : i32
    %scan3A_66 = scf.for %scan3A_68 = %scan3A_62 to %scan3A_64 step %scan3A_65 iter_args(%scan3A_69 = %scan3A) -> (i32)  : i32 {
      %mul3A_70 = arith.constant 2 : i32
      %mul3A_71 = arith.muli %scan3A_68, %mul3A_70 : i32
      %mul3A_72 = arith.constant 5 : i32
      %mul3A_73 = arith.muli %mul3A_71, %mul3A_72 : i32
      %add3A_74 = arith.constant 0 : i32
      %add3A_75 = arith.addi %mul3A_73, %add3A_74 : i32
      %dma_wait3A = arith.constant 0 : i32
      %dma_wait3A_76 = arith.constant 0 : i32
      %dma_wait3A_77 = arith.constant 0 : i32
      %dma_wait3A_78 = tpu.memref_slice %arg6[%dma_wait3A, %dma_wait3A_76, %dma_wait3A_77] : memref<5x128x64xf32, #tpu.memory_space<vmem>> -> memref<1x128x64xf32, #tpu.memory_space<vmem>>
      %dma_wait3A_79 = tpu.memref_squeeze %dma_wait3A_78 : memref<1x128x64xf32, #tpu.memory_space<vmem>> -> memref<128x64xf32, #tpu.memory_space<vmem>>
      %dma_wait3A_80 = arith.constant 0 : i32
      %dma_wait3A_81 = tpu.memref_slice %arg5[%add3A_75, %dma_wait3A_80] : memref<200x128xi32, #tpu.memory_space<vmem>> -> memref<1x128xi32, #tpu.memory_space<vmem>>
      %dma_wait3A_82 = tpu.memref_squeeze %dma_wait3A_81 : memref<1x128xi32, #tpu.memory_space<vmem>> -> memref<128xi32, #tpu.memory_space<vmem>>
      %dma_wait3A_83 = arith.constant 0 : i32
      %dma_wait3A_84 = arith.constant 0 : i32
      %dma_wait3A_85 = tpu.memref_slice %arg3[%dma_wait3A_83, %dma_wait3A_84] : memref<1000000x64xf32, #tpu.memory_space<hbm>> -> memref<1000000x64xf32, #tpu.memory_space<hbm>>
      tpu.wait_indirect_dma semaphore(%arg8 : memref<!tpu.dma_semaphore, #tpu.memory_space<semaphore_mem>>) src(%dma_wait3A_85 : memref<1000000x64xf32, #tpu.memory_space<hbm>>) dst(%dma_wait3A_79 : memref<128x64xf32, #tpu.memory_space<vmem>>)
      %mul3A_86 = arith.constant 5 : i32
      %mul3A_87 = arith.muli %mul3A_71, %mul3A_86 : i32
      %add3A_88 = arith.constant 1 : i32
      %add3A_89 = arith.addi %mul3A_87, %add3A_88 : i32
      %dma_wait3A_90 = arith.constant 1 : i32
      %dma_wait3A_91 = arith.constant 0 : i32
      %dma_wait3A_92 = arith.constant 0 : i32
      %dma_wait3A_93 = tpu.memref_slice %arg6[%dma_wait3A_90, %dma_wait3A_91, %dma_wait3A_92] : memref<5x128x64xf32, #tpu.memory_space<vmem>> -> memref<1x128x64xf32, #tpu.memory_space<vmem>>
      %dma_wait3A_94 = tpu.memref_squeeze %dma_wait3A_93 : memref<1x128x64xf32, #tpu.memory_space<vmem>> -> memref<128x64xf32, #tpu.memory_space<vmem>>
      %dma_wait3A_95 = arith.constant 0 : i32
      %dma_wait3A_96 = tpu.memref_slice %arg5[%add3A_89, %dma_wait3A_95] : memref<200x128xi32, #tpu.memory_space<vmem>> -> memref<1x128xi32, #tpu.memory_space<vmem>>
      %dma_wait3A_97 = tpu.memref_squeeze %dma_wait3A_96 : memref<1x128xi32, #tpu.memory_space<vmem>> -> memref<128xi32, #tpu.memory_space<vmem>>
      %dma_wait3A_98 = arith.constant 0 : i32
      %dma_wait3A_99 = arith.constant 0 : i32
      %dma_wait3A_100 = tpu.memref_slice %arg3[%dma_wait3A_98, %dma_wait3A_99] : memref<1000000x64xf32, #tpu.memory_space<hbm>> -> memref<1000000x64xf32, #tpu.memory_space<hbm>>
      tpu.wait_indirect_dma semaphore(%arg8 : memref<!tpu.dma_semaphore, #tpu.memory_space<semaphore_mem>>) src(%dma_wait3A_100 : memref<1000000x64xf32, #tpu.memory_space<hbm>>) dst(%dma_wait3A_94 : memref<128x64xf32, #tpu.memory_space<vmem>>)
      %mul3A_101 = arith.constant 5 : i32
      %mul3A_102 = arith.muli %mul3A_71, %mul3A_101 : i32
      %add3A_103 = arith.constant 2 : i32
      %add3A_104 = arith.addi %mul3A_102, %add3A_103 : i32
      %dma_wait3A_105 = arith.constant 2 : i32
      %dma_wait3A_106 = arith.constant 0 : i32
      %dma_wait3A_107 = arith.constant 0 : i32
      %dma_wait3A_108 = tpu.memref_slice %arg6[%dma_wait3A_105, %dma_wait3A_106, %dma_wait3A_107] : memref<5x128x64xf32, #tpu.memory_space<vmem>> -> memref<1x128x64xf32, #tpu.memory_space<vmem>>
      %dma_wait3A_109 = tpu.memref_squeeze %dma_wait3A_108 : memref<1x128x64xf32, #tpu.memory_space<vmem>> -> memref<128x64xf32, #tpu.memory_space<vmem>>
      %dma_wait3A_110 = arith.constant 0 : i32
      %dma_wait3A_111 = tpu.memref_slice %arg5[%add3A_104, %dma_wait3A_110] : memref<200x128xi32, #tpu.memory_space<vmem>> -> memref<1x128xi32, #tpu.memory_space<vmem>>
      %dma_wait3A_112 = tpu.memref_squeeze %dma_wait3A_111 : memref<1x128xi32, #tpu.memory_space<vmem>> -> memref<128xi32, #tpu.memory_space<vmem>>
      %dma_wait3A_113 = arith.constant 0 : i32
      %dma_wait3A_114 = arith.constant 0 : i32
      %dma_wait3A_115 = tpu.memref_slice %arg3[%dma_wait3A_113, %dma_wait3A_114] : memref<1000000x64xf32, #tpu.memory_space<hbm>> -> memref<1000000x64xf32, #tpu.memory_space<hbm>>
      tpu.wait_indirect_dma semaphore(%arg8 : memref<!tpu.dma_semaphore, #tpu.memory_space<semaphore_mem>>) src(%dma_wait3A_115 : memref<1000000x64xf32, #tpu.memory_space<hbm>>) dst(%dma_wait3A_109 : memref<128x64xf32, #tpu.memory_space<vmem>>)
      %mul3A_116 = arith.constant 5 : i32
      %mul3A_117 = arith.muli %mul3A_71, %mul3A_116 : i32
      %add3A_118 = arith.constant 3 : i32
      %add3A_119 = arith.addi %mul3A_117, %add3A_118 : i32
      %dma_wait3A_120 = arith.constant 3 : i32
      %dma_wait3A_121 = arith.constant 0 : i32
      %dma_wait3A_122 = arith.constant 0 : i32
      %dma_wait3A_123 = tpu.memref_slice %arg6[%dma_wait3A_120, %dma_wait3A_121, %dma_wait3A_122] : memref<5x128x64xf32, #tpu.memory_space<vmem>> -> memref<1x128x64xf32, #tpu.memory_space<vmem>>
      %dma_wait3A_124 = tpu.memref_squeeze %dma_wait3A_123 : memref<1x128x64xf32, #tpu.memory_space<vmem>> -> memref<128x64xf32, #tpu.memory_space<vmem>>
      %dma_wait3A_125 = arith.constant 0 : i32
      %dma_wait3A_126 = tpu.memref_slice %arg5[%add3A_119, %dma_wait3A_125] : memref<200x128xi32, #tpu.memory_space<vmem>> -> memref<1x128xi32, #tpu.memory_space<vmem>>
      %dma_wait3A_127 = tpu.memref_squeeze %dma_wait3A_126 : memref<1x128xi32, #tpu.memory_space<vmem>> -> memref<128xi32, #tpu.memory_space<vmem>>
      %dma_wait3A_128 = arith.constant 0 : i32
      %dma_wait3A_129 = arith.constant 0 : i32
      %dma_wait3A_130 = tpu.memref_slice %arg3[%dma_wait3A_128, %dma_wait3A_129] : memref<1000000x64xf32, #tpu.memory_space<hbm>> -> memref<1000000x64xf32, #tpu.memory_space<hbm>>
      tpu.wait_indirect_dma semaphore(%arg8 : memref<!tpu.dma_semaphore, #tpu.memory_space<semaphore_mem>>) src(%dma_wait3A_130 : memref<1000000x64xf32, #tpu.memory_space<hbm>>) dst(%dma_wait3A_124 : memref<128x64xf32, #tpu.memory_space<vmem>>)
      %mul3A_131 = arith.constant 5 : i32
      %mul3A_132 = arith.muli %mul3A_71, %mul3A_131 : i32
      %add3A_133 = arith.constant 4 : i32
      %add3A_134 = arith.addi %mul3A_132, %add3A_133 : i32
      %dma_wait3A_135 = arith.constant 4 : i32
      %dma_wait3A_136 = arith.constant 0 : i32
      %dma_wait3A_137 = arith.constant 0 : i32
      %dma_wait3A_138 = tpu.memref_slice %arg6[%dma_wait3A_135, %dma_wait3A_136, %dma_wait3A_137] : memref<5x128x64xf32, #tpu.memory_space<vmem>> -> memref<1x128x64xf32, #tpu.memory_space<vmem>>
      %dma_wait3A_139 = tpu.memref_squeeze %dma_wait3A_138 : memref<1x128x64xf32, #tpu.memory_space<vmem>> -> memref<128x64xf32, #tpu.memory_space<vmem>>
      %dma_wait3A_140 = arith.constant 0 : i32
      %dma_wait3A_141 = tpu.memref_slice %arg5[%add3A_134, %dma_wait3A_140] : memref<200x128xi32, #tpu.memory_space<vmem>> -> memref<1x128xi32, #tpu.memory_space<vmem>>
      %dma_wait3A_142 = tpu.memref_squeeze %dma_wait3A_141 : memref<1x128xi32, #tpu.memory_space<vmem>> -> memref<128xi32, #tpu.memory_space<vmem>>
      %dma_wait3A_143 = arith.constant 0 : i32
      %dma_wait3A_144 = arith.constant 0 : i32
      %dma_wait3A_145 = tpu.memref_slice %arg3[%dma_wait3A_143, %dma_wait3A_144] : memref<1000000x64xf32, #tpu.memory_space<hbm>> -> memref<1000000x64xf32, #tpu.memory_space<hbm>>
      tpu.wait_indirect_dma semaphore(%arg8 : memref<!tpu.dma_semaphore, #tpu.memory_space<semaphore_mem>>) src(%dma_wait3A_145 : memref<1000000x64xf32, #tpu.memory_space<hbm>>) dst(%dma_wait3A_139 : memref<128x64xf32, #tpu.memory_space<vmem>>)
      %add3A_146 = arith.constant 1 : i32
      %add3A_147 = arith.addi %mul3A_71, %add3A_146 : i32
      %mul3A_148 = arith.constant 5 : i32
      %mul3A_149 = arith.muli %add3A_147, %mul3A_148 : i32
      %add3A_150 = arith.constant 0 : i32
      %add3A_151 = arith.addi %mul3A_149, %add3A_150 : i32
      %dma_start3A_152 = arith.constant 0 : i32
      %dma_start3A_153 = arith.constant 0 : i32
      %dma_start3A_154 = arith.constant 0 : i32
      %dma_start3A_155 = tpu.memref_slice %arg7[%dma_start3A_152, %dma_start3A_153, %dma_start3A_154] : memref<5x128x64xf32, #tpu.memory_space<vmem>> -> memref<1x128x64xf32, #tpu.memory_space<vmem>>
      %dma_start3A_156 = tpu.memref_squeeze %dma_start3A_155 : memref<1x128x64xf32, #tpu.memory_space<vmem>> -> memref<128x64xf32, #tpu.memory_space<vmem>>
      %dma_start3A_157 = arith.constant 0 : i32
      %dma_start3A_158 = tpu.memref_slice %arg5[%add3A_151, %dma_start3A_157] : memref<200x128xi32, #tpu.memory_space<vmem>> -> memref<1x128xi32, #tpu.memory_space<vmem>>
      %dma_start3A_159 = tpu.memref_squeeze %dma_start3A_158 : memref<1x128xi32, #tpu.memory_space<vmem>> -> memref<128xi32, #tpu.memory_space<vmem>>
      %dma_start3A_160 = arith.constant 0 : i32
      %dma_start3A_161 = arith.constant 0 : i32
      %dma_start3A_162 = tpu.memref_slice %arg3[%dma_start3A_160, %dma_start3A_161] : memref<1000000x64xf32, #tpu.memory_space<hbm>> -> memref<1000000x64xf32, #tpu.memory_space<hbm>>
      tpu.enqueue_indirect_dma source(%dma_start3A_162 : memref<1000000x64xf32, #tpu.memory_space<hbm>>) target(%dma_start3A_156 : memref<128x64xf32, #tpu.memory_space<vmem>>) offsets(%dma_start3A_159 : memref<128xi32, #tpu.memory_space<vmem>>) semaphore(%arg9 : memref<!tpu.dma_semaphore, #tpu.memory_space<semaphore_mem>>)
      %mul3A_163 = arith.constant 5 : i32
      %mul3A_164 = arith.muli %add3A_147, %mul3A_163 : i32
      %add3A_165 = arith.constant 1 : i32
      %add3A_166 = arith.addi %mul3A_164, %add3A_165 : i32
      %dma_start3A_167 = arith.constant 1 : i32
      %dma_start3A_168 = arith.constant 0 : i32
      %dma_start3A_169 = arith.constant 0 : i32
      %dma_start3A_170 = tpu.memref_slice %arg7[%dma_start3A_167, %dma_start3A_168, %dma_start3A_169] : memref<5x128x64xf32, #tpu.memory_space<vmem>> -> memref<1x128x64xf32, #tpu.memory_space<vmem>>
      %dma_start3A_171 = tpu.memref_squeeze %dma_start3A_170 : memref<1x128x64xf32, #tpu.memory_space<vmem>> -> memref<128x64xf32, #tpu.memory_space<vmem>>
      %dma_start3A_172 = arith.constant 0 : i32
      %dma_start3A_173 = tpu.memref_slice %arg5[%add3A_166, %dma_start3A_172] : memref<200x128xi32, #tpu.memory_space<vmem>> -> memref<1x128xi32, #tpu.memory_space<vmem>>
      %dma_start3A_174 = tpu.memref_squeeze %dma_start3A_173 : memref<1x128xi32, #tpu.memory_space<vmem>> -> memref<128xi32, #tpu.memory_space<vmem>>
      %dma_start3A_175 = arith.constant 0 : i32
      %dma_start3A_176 = arith.constant 0 : i32
      %dma_start3A_177 = tpu.memref_slice %arg3[%dma_start3A_175, %dma_start3A_176] : memref<1000000x64xf32, #tpu.memory_space<hbm>> -> memref<1000000x64xf32, #tpu.memory_space<hbm>>
      tpu.enqueue_indirect_dma source(%dma_start3A_177 : memref<1000000x64xf32, #tpu.memory_space<hbm>>) target(%dma_start3A_171 : memref<128x64xf32, #tpu.memory_space<vmem>>) offsets(%dma_start3A_174 : memref<128xi32, #tpu.memory_space<vmem>>) semaphore(%arg9 : memref<!tpu.dma_semaphore, #tpu.memory_space<semaphore_mem>>)
      %mul3A_178 = arith.constant 5 : i32
      %mul3A_179 = arith.muli %add3A_147, %mul3A_178 : i32
      %add3A_180 = arith.constant 2 : i32
      %add3A_181 = arith.addi %mul3A_179, %add3A_180 : i32
      %dma_start3A_182 = arith.constant 2 : i32
      %dma_start3A_183 = arith.constant 0 : i32
      %dma_start3A_184 = arith.constant 0 : i32
      %dma_start3A_185 = tpu.memref_slice %arg7[%dma_start3A_182, %dma_start3A_183, %dma_start3A_184] : memref<5x128x64xf32, #tpu.memory_space<vmem>> -> memref<1x128x64xf32, #tpu.memory_space<vmem>>
      %dma_start3A_186 = tpu.memref_squeeze %dma_start3A_185 : memref<1x128x64xf32, #tpu.memory_space<vmem>> -> memref<128x64xf32, #tpu.memory_space<vmem>>
      %dma_start3A_187 = arith.constant 0 : i32
      %dma_start3A_188 = tpu.memref_slice %arg5[%add3A_181, %dma_start3A_187] : memref<200x128xi32, #tpu.memory_space<vmem>> -> memref<1x128xi32, #tpu.memory_space<vmem>>
      %dma_start3A_189 = tpu.memref_squeeze %dma_start3A_188 : memref<1x128xi32, #tpu.memory_space<vmem>> -> memref<128xi32, #tpu.memory_space<vmem>>
      %dma_start3A_190 = arith.constant 0 : i32
      %dma_start3A_191 = arith.constant 0 : i32
      %dma_start3A_192 = tpu.memref_slice %arg3[%dma_start3A_190, %dma_start3A_191] : memref<1000000x64xf32, #tpu.memory_space<hbm>> -> memref<1000000x64xf32, #tpu.memory_space<hbm>>
      tpu.enqueue_indirect_dma source(%dma_start3A_192 : memref<1000000x64xf32, #tpu.memory_space<hbm>>) target(%dma_start3A_186 : memref<128x64xf32, #tpu.memory_space<vmem>>) offsets(%dma_start3A_189 : memref<128xi32, #tpu.memory_space<vmem>>) semaphore(%arg9 : memref<!tpu.dma_semaphore, #tpu.memory_space<semaphore_mem>>)
      %mul3A_193 = arith.constant 5 : i32
      %mul3A_194 = arith.muli %add3A_147, %mul3A_193 : i32
      %add3A_195 = arith.constant 3 : i32
      %add3A_196 = arith.addi %mul3A_194, %add3A_195 : i32
      %dma_start3A_197 = arith.constant 3 : i32
      %dma_start3A_198 = arith.constant 0 : i32
      %dma_start3A_199 = arith.constant 0 : i32
      %dma_start3A_200 = tpu.memref_slice %arg7[%dma_start3A_197, %dma_start3A_198, %dma_start3A_199] : memref<5x128x64xf32, #tpu.memory_space<vmem>> -> memref<1x128x64xf32, #tpu.memory_space<vmem>>
      %dma_start3A_201 = tpu.memref_squeeze %dma_start3A_200 : memref<1x128x64xf32, #tpu.memory_space<vmem>> -> memref<128x64xf32, #tpu.memory_space<vmem>>
      %dma_start3A_202 = arith.constant 0 : i32
      %dma_start3A_203 = tpu.memref_slice %arg5[%add3A_196, %dma_start3A_202] : memref<200x128xi32, #tpu.memory_space<vmem>> -> memref<1x128xi32, #tpu.memory_space<vmem>>
      %dma_start3A_204 = tpu.memref_squeeze %dma_start3A_203 : memref<1x128xi32, #tpu.memory_space<vmem>> -> memref<128xi32, #tpu.memory_space<vmem>>
      %dma_start3A_205 = arith.constant 0 : i32
      %dma_start3A_206 = arith.constant 0 : i32
      %dma_start3A_207 = tpu.memref_slice %arg3[%dma_start3A_205, %dma_start3A_206] : memref<1000000x64xf32, #tpu.memory_space<hbm>> -> memref<1000000x64xf32, #tpu.memory_space<hbm>>
      tpu.enqueue_indirect_dma source(%dma_start3A_207 : memref<1000000x64xf32, #tpu.memory_space<hbm>>) target(%dma_start3A_201 : memref<128x64xf32, #tpu.memory_space<vmem>>) offsets(%dma_start3A_204 : memref<128xi32, #tpu.memory_space<vmem>>) semaphore(%arg9 : memref<!tpu.dma_semaphore, #tpu.memory_space<semaphore_mem>>)
      %mul3A_208 = arith.constant 5 : i32
      %mul3A_209 = arith.muli %add3A_147, %mul3A_208 : i32
      %add3A_210 = arith.constant 4 : i32
      %add3A_211 = arith.addi %mul3A_209, %add3A_210 : i32
      %dma_start3A_212 = arith.constant 4 : i32
      %dma_start3A_213 = arith.constant 0 : i32
      %dma_start3A_214 = arith.constant 0 : i32
      %dma_start3A_215 = tpu.memref_slice %arg7[%dma_start3A_212, %dma_start3A_213, %dma_start3A_214] : memref<5x128x64xf32, #tpu.memory_space<vmem>> -> memref<1x128x64xf32, #tpu.memory_space<vmem>>
      %dma_start3A_216 = tpu.memref_squeeze %dma_start3A_215 : memref<1x128x64xf32, #tpu.memory_space<vmem>> -> memref<128x64xf32, #tpu.memory_space<vmem>>
      %dma_start3A_217 = arith.constant 0 : i32
      %dma_start3A_218 = tpu.memref_slice %arg5[%add3A_211, %dma_start3A_217] : memref<200x128xi32, #tpu.memory_space<vmem>> -> memref<1x128xi32, #tpu.memory_space<vmem>>
      %dma_start3A_219 = tpu.memref_squeeze %dma_start3A_218 : memref<1x128xi32, #tpu.memory_space<vmem>> -> memref<128xi32, #tpu.memory_space<vmem>>
      %dma_start3A_220 = arith.constant 0 : i32
      %dma_start3A_221 = arith.constant 0 : i32
      %dma_start3A_222 = tpu.memref_slice %arg3[%dma_start3A_220, %dma_start3A_221] : memref<1000000x64xf32, #tpu.memory_space<hbm>> -> memref<1000000x64xf32, #tpu.memory_space<hbm>>
      tpu.enqueue_indirect_dma source(%dma_start3A_222 : memref<1000000x64xf32, #tpu.memory_space<hbm>>) target(%dma_start3A_216 : memref<128x64xf32, #tpu.memory_space<vmem>>) offsets(%dma_start3A_219 : memref<128xi32, #tpu.memory_space<vmem>>) semaphore(%arg9 : memref<!tpu.dma_semaphore, #tpu.memory_space<semaphore_mem>>)
      %mul3A_223 = arith.constant 5 : i32
      %mul3A_224 = arith.muli %mul3A_71, %mul3A_223 : i32
      %add3A_225 = arith.addi %mul3A_2, %mul3A_224 : i32
      "tpu.region"() ({
        %run_scoped3A = tpu.sem_alloc : memref<!tpu.dma_semaphore, #tpu.memory_space<semaphore_mem>>
        %dma_start3A_313 = arith.constant 0 : i32
        %dma_start3A_314 = arith.constant 0 : i32
        %dma_start3A_315 = tpu.memref_slice %arg4[%add3A_225, %dma_start3A_313, %dma_start3A_314] : memref<6400x128x64xf32, #tpu.memory_space<hbm>> -> memref<5x128x64xf32, #tpu.memory_space<hbm>>
        %dma_start3A_316 = arith.constant 0 : i32
        %dma_start3A_317 = arith.constant 0 : i32
        %dma_start3A_318 = tpu.memref_slice %arg4[%add3A_225, %dma_start3A_316, %dma_start3A_317] : memref<6400x128x64xf32, #tpu.memory_space<hbm>> -> memref<5x128x64xf32, #tpu.memory_space<hbm>>
        tpu.enqueue_dma source(%arg6 : memref<5x128x64xf32, #tpu.memory_space<vmem>>) target(%dma_start3A_318 : memref<5x128x64xf32, #tpu.memory_space<hbm>>) target_semaphore(%run_scoped3A : memref<!tpu.dma_semaphore, #tpu.memory_space<semaphore_mem>>)
        %dma_wait3A_319 = arith.constant 0 : i32
        %dma_wait3A_320 = arith.constant 0 : i32
        %dma_wait3A_321 = tpu.memref_slice %arg4[%add3A_225, %dma_wait3A_319, %dma_wait3A_320] : memref<6400x128x64xf32, #tpu.memory_space<hbm>> -> memref<5x128x64xf32, #tpu.memory_space<hbm>>
        %dma_wait3A_322 = arith.constant 0 : i32
        %dma_wait3A_323 = arith.constant 0 : i32
        %dma_wait3A_324 = tpu.memref_slice %arg4[%add3A_225, %dma_wait3A_322, %dma_wait3A_323] : memref<6400x128x64xf32, #tpu.memory_space<hbm>> -> memref<5x128x64xf32, #tpu.memory_space<hbm>>
        tpu.wait_dma2 semaphore(%run_scoped3A : memref<!tpu.dma_semaphore, #tpu.memory_space<semaphore_mem>>) src(%arg6 : memref<5x128x64xf32, #tpu.memory_space<vmem>>) dst(%dma_wait3A_324 : memref<5x128x64xf32, #tpu.memory_space<hbm>>)
        tpu.yield
      }) : () -> ()
      %add3A_226 = arith.constant 1 : i32
      %add3A_227 = arith.addi %mul3A_71, %add3A_226 : i32
      %mul3A_228 = arith.constant 5 : i32
      %mul3A_229 = arith.muli %add3A_227, %mul3A_228 : i32
      %add3A_230 = arith.constant 0 : i32
      %add3A_231 = arith.addi %mul3A_229, %add3A_230 : i32
      %dma_wait3A_232 = arith.constant 0 : i32
      %dma_wait3A_233 = arith.constant 0 : i32
      %dma_wait3A_234 = arith.constant 0 : i32
      %dma_wait3A_235 = tpu.memref_slice %arg7[%dma_wait3A_232, %dma_wait3A_233, %dma_wait3A_234] : memref<5x128x64xf32, #tpu.memory_space<vmem>> -> memref<1x128x64xf32, #tpu.memory_space<vmem>>
      %dma_wait3A_236 = tpu.memref_squeeze %dma_wait3A_235 : memref<1x128x64xf32, #tpu.memory_space<vmem>> -> memref<128x64xf32, #tpu.memory_space<vmem>>
      %dma_wait3A_237 = arith.constant 0 : i32
      %dma_wait3A_238 = tpu.memref_slice %arg5[%add3A_231, %dma_wait3A_237] : memref<200x128xi32, #tpu.memory_space<vmem>> -> memref<1x128xi32, #tpu.memory_space<vmem>>
      %dma_wait3A_239 = tpu.memref_squeeze %dma_wait3A_238 : memref<1x128xi32, #tpu.memory_space<vmem>> -> memref<128xi32, #tpu.memory_space<vmem>>
      %dma_wait3A_240 = arith.constant 0 : i32
      %dma_wait3A_241 = arith.constant 0 : i32
      %dma_wait3A_242 = tpu.memref_slice %arg3[%dma_wait3A_240, %dma_wait3A_241] : memref<1000000x64xf32, #tpu.memory_space<hbm>> -> memref<1000000x64xf32, #tpu.memory_space<hbm>>
      tpu.wait_indirect_dma semaphore(%arg9 : memref<!tpu.dma_semaphore, #tpu.memory_space<semaphore_mem>>) src(%dma_wait3A_242 : memref<1000000x64xf32, #tpu.memory_space<hbm>>) dst(%dma_wait3A_236 : memref<128x64xf32, #tpu.memory_space<vmem>>)
      %mul3A_243 = arith.constant 5 : i32
      %mul3A_244 = arith.muli %add3A_227, %mul3A_243 : i32
      %add3A_245 = arith.constant 1 : i32
      %add3A_246 = arith.addi %mul3A_244, %add3A_245 : i32
      %dma_wait3A_247 = arith.constant 1 : i32
      %dma_wait3A_248 = arith.constant 0 : i32
      %dma_wait3A_249 = arith.constant 0 : i32
      %dma_wait3A_250 = tpu.memref_slice %arg7[%dma_wait3A_247, %dma_wait3A_248, %dma_wait3A_249] : memref<5x128x64xf32, #tpu.memory_space<vmem>> -> memref<1x128x64xf32, #tpu.memory_space<vmem>>
      %dma_wait3A_251 = tpu.memref_squeeze %dma_wait3A_250 : memref<1x128x64xf32, #tpu.memory_space<vmem>> -> memref<128x64xf32, #tpu.memory_space<vmem>>
      %dma_wait3A_252 = arith.constant 0 : i32
      %dma_wait3A_253 = tpu.memref_slice %arg5[%add3A_246, %dma_wait3A_252] : memref<200x128xi32, #tpu.memory_space<vmem>> -> memref<1x128xi32, #tpu.memory_space<vmem>>
      %dma_wait3A_254 = tpu.memref_squeeze %dma_wait3A_253 : memref<1x128xi32, #tpu.memory_space<vmem>> -> memref<128xi32, #tpu.memory_space<vmem>>
      %dma_wait3A_255 = arith.constant 0 : i32
      %dma_wait3A_256 = arith.constant 0 : i32
      %dma_wait3A_257 = tpu.memref_slice %arg3[%dma_wait3A_255, %dma_wait3A_256] : memref<1000000x64xf32, #tpu.memory_space<hbm>> -> memref<1000000x64xf32, #tpu.memory_space<hbm>>
      tpu.wait_indirect_dma semaphore(%arg9 : memref<!tpu.dma_semaphore, #tpu.memory_space<semaphore_mem>>) src(%dma_wait3A_257 : memref<1000000x64xf32, #tpu.memory_space<hbm>>) dst(%dma_wait3A_251 : memref<128x64xf32, #tpu.memory_space<vmem>>)
      %mul3A_258 = arith.constant 5 : i32
      %mul3A_259 = arith.muli %add3A_227, %mul3A_258 : i32
      %add3A_260 = arith.constant 2 : i32
      %add3A_261 = arith.addi %mul3A_259, %add3A_260 : i32
      %dma_wait3A_262 = arith.constant 2 : i32
      %dma_wait3A_263 = arith.constant 0 : i32
      %dma_wait3A_264 = arith.constant 0 : i32
      %dma_wait3A_265 = tpu.memref_slice %arg7[%dma_wait3A_262, %dma_wait3A_263, %dma_wait3A_264] : memref<5x128x64xf32, #tpu.memory_space<vmem>> -> memref<1x128x64xf32, #tpu.memory_space<vmem>>
      %dma_wait3A_266 = tpu.memref_squeeze %dma_wait3A_265 : memref<1x128x64xf32, #tpu.memory_space<vmem>> -> memref<128x64xf32, #tpu.memory_space<vmem>>
      %dma_wait3A_267 = arith.constant 0 : i32
      %dma_wait3A_268 = tpu.memref_slice %arg5[%add3A_261, %dma_wait3A_267] : memref<200x128xi32, #tpu.memory_space<vmem>> -> memref<1x128xi32, #tpu.memory_space<vmem>>
      %dma_wait3A_269 = tpu.memref_squeeze %dma_wait3A_268 : memref<1x128xi32, #tpu.memory_space<vmem>> -> memref<128xi32, #tpu.memory_space<vmem>>
      %dma_wait3A_270 = arith.constant 0 : i32
      %dma_wait3A_271 = arith.constant 0 : i32
      %dma_wait3A_272 = tpu.memref_slice %arg3[%dma_wait3A_270, %dma_wait3A_271] : memref<1000000x64xf32, #tpu.memory_space<hbm>> -> memref<1000000x64xf32, #tpu.memory_space<hbm>>
      tpu.wait_indirect_dma semaphore(%arg9 : memref<!tpu.dma_semaphore, #tpu.memory_space<semaphore_mem>>) src(%dma_wait3A_272 : memref<1000000x64xf32, #tpu.memory_space<hbm>>) dst(%dma_wait3A_266 : memref<128x64xf32, #tpu.memory_space<vmem>>)
      %mul3A_273 = arith.constant 5 : i32
      %mul3A_274 = arith.muli %add3A_227, %mul3A_273 : i32
      %add3A_275 = arith.constant 3 : i32
      %add3A_276 = arith.addi %mul3A_274, %add3A_275 : i32
      %dma_wait3A_277 = arith.constant 3 : i32
      %dma_wait3A_278 = arith.constant 0 : i32
      %dma_wait3A_279 = arith.constant 0 : i32
      %dma_wait3A_280 = tpu.memref_slice %arg7[%dma_wait3A_277, %dma_wait3A_278, %dma_wait3A_279] : memref<5x128x64xf32, #tpu.memory_space<vmem>> -> memref<1x128x64xf32, #tpu.memory_space<vmem>>
      %dma_wait3A_281 = tpu.memref_squeeze %dma_wait3A_280 : memref<1x128x64xf32, #tpu.memory_space<vmem>> -> memref<128x64xf32, #tpu.memory_space<vmem>>
      %dma_wait3A_282 = arith.constant 0 : i32
      %dma_wait3A_283 = tpu.memref_slice %arg5[%add3A_276, %dma_wait3A_282] : memref<200x128xi32, #tpu.memory_space<vmem>> -> memref<1x128xi32, #tpu.memory_space<vmem>>
      %dma_wait3A_284 = tpu.memref_squeeze %dma_wait3A_283 : memref<1x128xi32, #tpu.memory_space<vmem>> -> memref<128xi32, #tpu.memory_space<vmem>>
      %dma_wait3A_285 = arith.constant 0 : i32
      %dma_wait3A_286 = arith.constant 0 : i32
      %dma_wait3A_287 = tpu.memref_slice %arg3[%dma_wait3A_285, %dma_wait3A_286] : memref<1000000x64xf32, #tpu.memory_space<hbm>> -> memref<1000000x64xf32, #tpu.memory_space<hbm>>
      tpu.wait_indirect_dma semaphore(%arg9 : memref<!tpu.dma_semaphore, #tpu.memory_space<semaphore_mem>>) src(%dma_wait3A_287 : memref<1000000x64xf32, #tpu.memory_space<hbm>>) dst(%dma_wait3A_281 : memref<128x64xf32, #tpu.memory_space<vmem>>)
      %mul3A_288 = arith.constant 5 : i32
      %mul3A_289 = arith.muli %add3A_227, %mul3A_288 : i32
      %add3A_290 = arith.constant 4 : i32
      %add3A_291 = arith.addi %mul3A_289, %add3A_290 : i32
      %dma_wait3A_292 = arith.constant 4 : i32
      %dma_wait3A_293 = arith.constant 0 : i32
      %dma_wait3A_294 = arith.constant 0 : i32
      %dma_wait3A_295 = tpu.memref_slice %arg7[%dma_wait3A_292, %dma_wait3A_293, %dma_wait3A_294] : memref<5x128x64xf32, #tpu.memory_space<vmem>> -> memref<1x128x64xf32, #tpu.memory_space<vmem>>
      %dma_wait3A_296 = tpu.memref_squeeze %dma_wait3A_295 : memref<1x128x64xf32, #tpu.memory_space<vmem>> -> memref<128x64xf32, #tpu.memory_space<vmem>>
      %dma_wait3A_297 = arith.constant 0 : i32
      %dma_wait3A_298 = tpu.memref_slice %arg5[%add3A_291, %dma_wait3A_297] : memref<200x128xi32, #tpu.memory_space<vmem>> -> memref<1x128xi32, #tpu.memory_space<vmem>>
      %dma_wait3A_299 = tpu.memref_squeeze %dma_wait3A_298 : memref<1x128xi32, #tpu.memory_space<vmem>> -> memref<128xi32, #tpu.memory_space<vmem>>
      %dma_wait3A_300 = arith.constant 0 : i32
      %dma_wait3A_301 = arith.constant 0 : i32
      %dma_wait3A_302 = tpu.memref_slice %arg3[%dma_wait3A_300, %dma_wait3A_301] : memref<1000000x64xf32, #tpu.memory_space<hbm>> -> memref<1000000x64xf32, #tpu.memory_space<hbm>>
      tpu.wait_indirect_dma semaphore(%arg9 : memref<!tpu.dma_semaphore, #tpu.memory_space<semaphore_mem>>) src(%dma_wait3A_302 : memref<1000000x64xf32, #tpu.memory_space<hbm>>) dst(%dma_wait3A_296 : memref<128x64xf32, #tpu.memory_space<vmem>>)
      %add3A_303 = arith.constant 1 : i32
      %add3A_304 = arith.addi %scan3A_68, %add3A_303 : i32
      %lt3A = arith.constant 20 : i32
      %lt3A_305 = arith.cmpi slt, %add3A_304, %lt3A : i32
      %convert_element_type3A = arith.extui %lt3A_305 : i1 to i32
      %cond3A = arith.constant 0 : i32
      %cond3A_306 = arith.cmpi ne, %convert_element_type3A, %cond3A : i32
      scf.if %cond3A_306 {
        %add3A_313 = arith.constant 2 : i32
        %add3A_314 = arith.addi %mul3A_71, %add3A_313 : i32
        %mul3A_315 = arith.constant 5 : i32
        %mul3A_316 = arith.muli %add3A_314, %mul3A_315 : i32
        %add3A_317 = arith.constant 0 : i32
        %add3A_318 = arith.addi %mul3A_316, %add3A_317 : i32
        %dma_start3A_319 = arith.constant 0 : i32
        %dma_start3A_320 = arith.constant 0 : i32
        %dma_start3A_321 = arith.constant 0 : i32
        %dma_start3A_322 = tpu.memref_slice %arg6[%dma_start3A_319, %dma_start3A_320, %dma_start3A_321] : memref<5x128x64xf32, #tpu.memory_space<vmem>> -> memref<1x128x64xf32, #tpu.memory_space<vmem>>
        %dma_start3A_323 = tpu.memref_squeeze %dma_start3A_322 : memref<1x128x64xf32, #tpu.memory_space<vmem>> -> memref<128x64xf32, #tpu.memory_space<vmem>>
        %dma_start3A_324 = arith.constant 0 : i32
        %dma_start3A_325 = tpu.memref_slice %arg5[%add3A_318, %dma_start3A_324] : memref<200x128xi32, #tpu.memory_space<vmem>> -> memref<1x128xi32, #tpu.memory_space<vmem>>
        %dma_start3A_326 = tpu.memref_squeeze %dma_start3A_325 : memref<1x128xi32, #tpu.memory_space<vmem>> -> memref<128xi32, #tpu.memory_space<vmem>>
        %dma_start3A_327 = arith.constant 0 : i32
        %dma_start3A_328 = arith.constant 0 : i32
        %dma_start3A_329 = tpu.memref_slice %arg3[%dma_start3A_327, %dma_start3A_328] : memref<1000000x64xf32, #tpu.memory_space<hbm>> -> memref<1000000x64xf32, #tpu.memory_space<hbm>>
        tpu.enqueue_indirect_dma source(%dma_start3A_329 : memref<1000000x64xf32, #tpu.memory_space<hbm>>) target(%dma_start3A_323 : memref<128x64xf32, #tpu.memory_space<vmem>>) offsets(%dma_start3A_326 : memref<128xi32, #tpu.memory_space<vmem>>) semaphore(%arg8 : memref<!tpu.dma_semaphore, #tpu.memory_space<semaphore_mem>>)
        %mul3A_330 = arith.constant 5 : i32
        %mul3A_331 = arith.muli %add3A_314, %mul3A_330 : i32
        %add3A_332 = arith.constant 1 : i32
        %add3A_333 = arith.addi %mul3A_331, %add3A_332 : i32
        %dma_start3A_334 = arith.constant 1 : i32
        %dma_start3A_335 = arith.constant 0 : i32
        %dma_start3A_336 = arith.constant 0 : i32
        %dma_start3A_337 = tpu.memref_slice %arg6[%dma_start3A_334, %dma_start3A_335, %dma_start3A_336] : memref<5x128x64xf32, #tpu.memory_space<vmem>> -> memref<1x128x64xf32, #tpu.memory_space<vmem>>
        %dma_start3A_338 = tpu.memref_squeeze %dma_start3A_337 : memref<1x128x64xf32, #tpu.memory_space<vmem>> -> memref<128x64xf32, #tpu.memory_space<vmem>>
        %dma_start3A_339 = arith.constant 0 : i32
        %dma_start3A_340 = tpu.memref_slice %arg5[%add3A_333, %dma_start3A_339] : memref<200x128xi32, #tpu.memory_space<vmem>> -> memref<1x128xi32, #tpu.memory_space<vmem>>
        %dma_start3A_341 = tpu.memref_squeeze %dma_start3A_340 : memref<1x128xi32, #tpu.memory_space<vmem>> -> memref<128xi32, #tpu.memory_space<vmem>>
        %dma_start3A_342 = arith.constant 0 : i32
        %dma_start3A_343 = arith.constant 0 : i32
        %dma_start3A_344 = tpu.memref_slice %arg3[%dma_start3A_342, %dma_start3A_343] : memref<1000000x64xf32, #tpu.memory_space<hbm>> -> memref<1000000x64xf32, #tpu.memory_space<hbm>>
        tpu.enqueue_indirect_dma source(%dma_start3A_344 : memref<1000000x64xf32, #tpu.memory_space<hbm>>) target(%dma_start3A_338 : memref<128x64xf32, #tpu.memory_space<vmem>>) offsets(%dma_start3A_341 : memref<128xi32, #tpu.memory_space<vmem>>) semaphore(%arg8 : memref<!tpu.dma_semaphore, #tpu.memory_space<semaphore_mem>>)
        %mul3A_345 = arith.constant 5 : i32
        %mul3A_346 = arith.muli %add3A_314, %mul3A_345 : i32
        %add3A_347 = arith.constant 2 : i32
        %add3A_348 = arith.addi %mul3A_346, %add3A_347 : i32
        %dma_start3A_349 = arith.constant 2 : i32
        %dma_start3A_350 = arith.constant 0 : i32
        %dma_start3A_351 = arith.constant 0 : i32
        %dma_start3A_352 = tpu.memref_slice %arg6[%dma_start3A_349, %dma_start3A_350, %dma_start3A_351] : memref<5x128x64xf32, #tpu.memory_space<vmem>> -> memref<1x128x64xf32, #tpu.memory_space<vmem>>
        %dma_start3A_353 = tpu.memref_squeeze %dma_start3A_352 : memref<1x128x64xf32, #tpu.memory_space<vmem>> -> memref<128x64xf32, #tpu.memory_space<vmem>>
        %dma_start3A_354 = arith.constant 0 : i32
        %dma_start3A_355 = tpu.memref_slice %arg5[%add3A_348, %dma_start3A_354] : memref<200x128xi32, #tpu.memory_space<vmem>> -> memref<1x128xi32, #tpu.memory_space<vmem>>
        %dma_start3A_356 = tpu.memref_squeeze %dma_start3A_355 : memref<1x128xi32, #tpu.memory_space<vmem>> -> memref<128xi32, #tpu.memory_space<vmem>>
        %dma_start3A_357 = arith.constant 0 : i32
        %dma_start3A_358 = arith.constant 0 : i32
        %dma_start3A_359 = tpu.memref_slice %arg3[%dma_start3A_357, %dma_start3A_358] : memref<1000000x64xf32, #tpu.memory_space<hbm>> -> memref<1000000x64xf32, #tpu.memory_space<hbm>>
        tpu.enqueue_indirect_dma source(%dma_start3A_359 : memref<1000000x64xf32, #tpu.memory_space<hbm>>) target(%dma_start3A_353 : memref<128x64xf32, #tpu.memory_space<vmem>>) offsets(%dma_start3A_356 : memref<128xi32, #tpu.memory_space<vmem>>) semaphore(%arg8 : memref<!tpu.dma_semaphore, #tpu.memory_space<semaphore_mem>>)
        %mul3A_360 = arith.constant 5 : i32
        %mul3A_361 = arith.muli %add3A_314, %mul3A_360 : i32
        %add3A_362 = arith.constant 3 : i32
        %add3A_363 = arith.addi %mul3A_361, %add3A_362 : i32
        %dma_start3A_364 = arith.constant 3 : i32
        %dma_start3A_365 = arith.constant 0 : i32
        %dma_start3A_366 = arith.constant 0 : i32
        %dma_start3A_367 = tpu.memref_slice %arg6[%dma_start3A_364, %dma_start3A_365, %dma_start3A_366] : memref<5x128x64xf32, #tpu.memory_space<vmem>> -> memref<1x128x64xf32, #tpu.memory_space<vmem>>
        %dma_start3A_368 = tpu.memref_squeeze %dma_start3A_367 : memref<1x128x64xf32, #tpu.memory_space<vmem>> -> memref<128x64xf32, #tpu.memory_space<vmem>>
        %dma_start3A_369 = arith.constant 0 : i32
        %dma_start3A_370 = tpu.memref_slice %arg5[%add3A_363, %dma_start3A_369] : memref<200x128xi32, #tpu.memory_space<vmem>> -> memref<1x128xi32, #tpu.memory_space<vmem>>
        %dma_start3A_371 = tpu.memref_squeeze %dma_start3A_370 : memref<1x128xi32, #tpu.memory_space<vmem>> -> memref<128xi32, #tpu.memory_space<vmem>>
        %dma_start3A_372 = arith.constant 0 : i32
        %dma_start3A_373 = arith.constant 0 : i32
        %dma_start3A_374 = tpu.memref_slice %arg3[%dma_start3A_372, %dma_start3A_373] : memref<1000000x64xf32, #tpu.memory_space<hbm>> -> memref<1000000x64xf32, #tpu.memory_space<hbm>>
        tpu.enqueue_indirect_dma source(%dma_start3A_374 : memref<1000000x64xf32, #tpu.memory_space<hbm>>) target(%dma_start3A_368 : memref<128x64xf32, #tpu.memory_space<vmem>>) offsets(%dma_start3A_371 : memref<128xi32, #tpu.memory_space<vmem>>) semaphore(%arg8 : memref<!tpu.dma_semaphore, #tpu.memory_space<semaphore_mem>>)
        %mul3A_375 = arith.constant 5 : i32
        %mul3A_376 = arith.muli %add3A_314, %mul3A_375 : i32
        %add3A_377 = arith.constant 4 : i32
        %add3A_378 = arith.addi %mul3A_376, %add3A_377 : i32
        %dma_start3A_379 = arith.constant 4 : i32
        %dma_start3A_380 = arith.constant 0 : i32
        %dma_start3A_381 = arith.constant 0 : i32
        %dma_start3A_382 = tpu.memref_slice %arg6[%dma_start3A_379, %dma_start3A_380, %dma_start3A_381] : memref<5x128x64xf32, #tpu.memory_space<vmem>> -> memref<1x128x64xf32, #tpu.memory_space<vmem>>
        %dma_start3A_383 = tpu.memref_squeeze %dma_start3A_382 : memref<1x128x64xf32, #tpu.memory_space<vmem>> -> memref<128x64xf32, #tpu.memory_space<vmem>>
        %dma_start3A_384 = arith.constant 0 : i32
        %dma_start3A_385 = tpu.memref_slice %arg5[%add3A_378, %dma_start3A_384] : memref<200x128xi32, #tpu.memory_space<vmem>> -> memref<1x128xi32, #tpu.memory_space<vmem>>
        %dma_start3A_386 = tpu.memref_squeeze %dma_start3A_385 : memref<1x128xi32, #tpu.memory_space<vmem>> -> memref<128xi32, #tpu.memory_space<vmem>>
        %dma_start3A_387 = arith.constant 0 : i32
        %dma_start3A_388 = arith.constant 0 : i32
        %dma_start3A_389 = tpu.memref_slice %arg3[%dma_start3A_387, %dma_start3A_388] : memref<1000000x64xf32, #tpu.memory_space<hbm>> -> memref<1000000x64xf32, #tpu.memory_space<hbm>>
        tpu.enqueue_indirect_dma source(%dma_start3A_389 : memref<1000000x64xf32, #tpu.memory_space<hbm>>) target(%dma_start3A_383 : memref<128x64xf32, #tpu.memory_space<vmem>>) offsets(%dma_start3A_386 : memref<128xi32, #tpu.memory_space<vmem>>) semaphore(%arg8 : memref<!tpu.dma_semaphore, #tpu.memory_space<semaphore_mem>>)
      } else {
      }
      %add3A_307 = arith.constant 1 : i32
      %add3A_308 = arith.addi %mul3A_71, %add3A_307 : i32
      %mul3A_309 = arith.constant 5 : i32
      %mul3A_310 = arith.muli %add3A_308, %mul3A_309 : i32
      %add3A_311 = arith.addi %mul3A_2, %mul3A_310 : i32
      "tpu.region"() ({
        %run_scoped3A = tpu.sem_alloc : memref<!tpu.dma_semaphore, #tpu.memory_space<semaphore_mem>>
        %dma_start3A_313 = arith.constant 0 : i32
        %dma_start3A_314 = arith.constant 0 : i32
        %dma_start3A_315 = tpu.memref_slice %arg4[%add3A_311, %dma_start3A_313, %dma_start3A_314] : memref<6400x128x64xf32, #tpu.memory_space<hbm>> -> memref<5x128x64xf32, #tpu.memory_space<hbm>>
        %dma_start3A_316 = arith.constant 0 : i32
        %dma_start3A_317 = arith.constant 0 : i32
        %dma_start3A_318 = tpu.memref_slice %arg4[%add3A_311, %dma_start3A_316, %dma_start3A_317] : memref<6400x128x64xf32, #tpu.memory_space<hbm>> -> memref<5x128x64xf32, #tpu.memory_space<hbm>>
        tpu.enqueue_dma source(%arg7 : memref<5x128x64xf32, #tpu.memory_space<vmem>>) target(%dma_start3A_318 : memref<5x128x64xf32, #tpu.memory_space<hbm>>) target_semaphore(%run_scoped3A : memref<!tpu.dma_semaphore, #tpu.memory_space<semaphore_mem>>)
        %dma_wait3A_319 = arith.constant 0 : i32
        %dma_wait3A_320 = arith.constant 0 : i32
        %dma_wait3A_321 = tpu.memref_slice %arg4[%add3A_311, %dma_wait3A_319, %dma_wait3A_320] : memref<6400x128x64xf32, #tpu.memory_space<hbm>> -> memref<5x128x64xf32, #tpu.memory_space<hbm>>
        %dma_wait3A_322 = arith.constant 0 : i32
        %dma_wait3A_323 = arith.constant 0 : i32
        %dma_wait3A_324 = tpu.memref_slice %arg4[%add3A_311, %dma_wait3A_322, %dma_wait3A_323] : memref<6400x128x64xf32, #tpu.memory_space<hbm>> -> memref<5x128x64xf32, #tpu.memory_space<hbm>>
        tpu.wait_dma2 semaphore(%run_scoped3A : memref<!tpu.dma_semaphore, #tpu.memory_space<semaphore_mem>>) src(%arg7 : memref<5x128x64xf32, #tpu.memory_space<vmem>>) dst(%dma_wait3A_324 : memref<5x128x64xf32, #tpu.memory_space<hbm>>)
        tpu.yield
      }) : () -> ()
      %scan3A_312 = arith.constant 0 : i32
      scf.yield %scan3A_312 : i32
    }
    %scan3A_67 = arith.constant 20 : i32
    return
  }
}

</mosaic_0001>

<sc_bundles>
// kernel: kernel.3.cloned.1.call-start
scs
__scs_entry_jumppad:
0x0: {  	(pc) =	sbr.rel $0x88, $3  }
0x1: {  	(tag) =	ssettag $0x0;
	lr =	simm.s32 $0x1  }
0x2: {  	[smem:$0x3F9F] =	sst lr;
	_ =	strace $0xD0000000  }
0x3: {  	_ = 	snop  }
0x4: {  	_ = 	snop  }
0x5: {  	_ = 	snop  }
0x6: {  	_ = 	snop  }
0x7: {  	_ = 	snop  }
__scs_overlays_trampoline_lowered:
0x8: {  	[smem:$0x3FAE] =	sst s0  }
0x9: {  	[smem:$0x3FAF] =	sst s1  }
0xa: {  	[smem:$0x3FB0] =	sst s2  }
0xb: {  	[smem:$0x3FB1] =	sst s3  }
0xc: {  	[smem:$0x3FB2] =	sst s4  }
0xd: {  	[smem:$0x3FB3] =	sst s5  }
0xe: {  	[smem:$0x3FB4] =	sst s6  }
0xf: {  	[smem:$0x3FB5] =	sst s7  }
0x10: {  	[smem:$0x3FB6] =	sst s8  }
0x11: {  	[smem:$0x3FB7] =	sst s9;
	s0 =	simm.s32 @!p0 $0x0  }
0x12: {  	s1 =	sld [smem:$0x3F9D];
	s0 =	simm.s32 @p0 $0x1  }
0x13: {  	[smem:$0x3FB8] =	sst s0;
	s0 =	simm.s32 @!p1 $0x0  }
0x14: {  	s2 =	sld [smem:$0x3F9C];
	s0 =	simm.s32 @p1 $0x1  }
0x15: {  	[smem:$0x3FB9] =	sst s0;
	s0 =	simm.s32 @!p2 $0x0  }
0x16: {  	s3 =	sld [smem:$0x3FDB];
	s0 =	simm.s32 @p2 $0x1  }
0x17: {  	s4 =	simm.s32 $0x1BF5;
	[smem:$0x3FBB] =	sst s0  }
0x18: {  	s0 =	sld [smem:$0x3F9E];
	_ =	swait.ge [sflag:s4], $0x0  }
0x19: {  	s7 =	sld [smem:$0x3F9F]  }
0x1a: {  	s8 =	sadd.s32 $0xFFFFE003, lr  }
0x1b: {  	s9 =	sadd.s32 $0xFFFFFEF7, lr;
	s5 =	simm.s32 $0xFFFFFFFF;
	p2 =	slt.u32 s8, $0xFFFFF086  }
0x1c: {  	p1 =	slt.u32 s9, $0xF7A;
	s5 =	simm.s32 @!p2 $0x0  }
0x1d: {  	s5 =	simm.s32 @p1 $0x1;
	p0 =	seq.s32 s7, s2  }
0x1e: {  	s7 =	smul.u32 @!p0 $0xF7A, s2;
	p2 =	seq.s32 @!p0 s5, $0x0  }
0x1f: {  	s9 =	smul.u32 $0xF7A, s1;
	s8 =	simm.s32 @!p0 $0x1BF5;
	p2 =	por !p2, p0  }
0x20: {  	[sflag:s8] =	ssyncset.s32 @!p0 $0xFFFFF086;
	s6 =	sadd.s32 @!p0 s3, s7;
	s7 =	simm.s32 @!p0 $0x108  }
0x21: {  	s3 =	sadd.s32 s3, s9;
	s6 =	sadd.s32 @!p0 $0x88, s6;
	s7 =	simm.s32 @p2 $0x1082  }
0x22: {  	[simem:s7], [sflag:s8] =	dma.local @!p0 [hbm:s6], $0xF7A  }
0x23: {  	s9 =	sor.u32 $0xD0000000, s2;
	s6 =	simm.s32 $0x108;
	_ =	swait.ge @!p0 [sflag:s8], $0x0  }
0x24: {  	s3 =	sadd.s32 $0x88, s3;
	s6 =	simm.s32 @!p1 $0x1082;
	[sflag:s4] =	ssyncset.s32 $0xFFFFF086  }
0x25: {  	[simem:s6], [sflag:s4] =	dma.local [hbm:s3], $0xF7A  }
0x26: {  	[smem:$0x3F9F] =	sst s1;
	(tag) =	ssettag s2;
	_ =	strace s9  }
0x27: {  	s1 =	sld [smem:$0x3FAF]  }
0x28: {  	s2 =	sld [smem:$0x3FB0]  }
0x29: {  	s4 =	sld [smem:$0x3FB2]  }
0x2a: {  	p0 =	seq.s32 s5, $0x0;
	s5 =	sld [smem:$0x3FB3]  }
0x2b: {  	s6 =	sld [smem:$0x3FB4]  }
0x2c: {  	s7 =	sld [smem:$0x3FB5]  }
0x2d: {  	s3 =	simm.s32 $0x108;
	s8 =	sld [smem:$0x3FB6]  }
0x2e: {  	s3 =	simm.s32 @!p0 $0x1082;
	s9 =	sld [smem:$0x3FB7]  }
0x2f: {  	lr =	sadd.s32 s0, s3;
	s0 =	sld [smem:$0x3FAE]  }
0x30: {  	s3 =	sld [smem:$0x3FB1]  }
0x31: {  	[smem:$0x3FBA] =	sst s10  }
0x32: {  	s10 =	sld [smem:$0x3FB8];
	_ =	sdelay $0x3  }
0x33: {  	p0 =	seq.s32 s10, $0x1;
	s10 =	sld [smem:$0x3FBA];
	_ =	sdelay $0x3  }
0x34: {  	[smem:$0x3FBA] =	sst s10  }
0x35: {  	s10 =	sld [smem:$0x3FB9];
	_ =	sdelay $0x3  }
0x36: {  	p1 =	seq.s32 s10, $0x1;
	s10 =	sld [smem:$0x3FBA];
	_ =	sdelay $0x3  }
0x37: {  	[smem:$0x3FBA] =	sst s10  }
0x38: {  	s10 =	sld [smem:$0x3FBB]  }
0x39: {  	_ = 	snop;
	(pc) =	sbr.ind lr, $3  }
0x3a: {  	_ = 	snop  }
0x3b: {  	_ = 	snop  }
0x3c: {  	p2 =	seq.s32 s10, $0x1;
	s10 =	sld [smem:$0x3FBA]  }
0x3d: {  	_ =	shalt  }
0x3e: {  	_ =	shalt  }
0x3f: {  	_ =	shalt  }
0x40: {  	_ =	shalt  }
0x41: {  	_ =	shalt  }
0x42: {  	_ =	shalt  }
0x43: {  	_ =	shalt  }
0x44: {  	_ =	shalt  }
0x45: {  	_ =	shalt  }
0x46: {  	_ =	shalt  }
0x47: {  	_ =	shalt  }
0x48: {  	_ =	shalt  }
0x49: {  	_ =	shalt  }
0x4a: {  	_ =	shalt  }
0x4b: {  	_ =	shalt  }
0x4c: {  	_ =	shalt  }
0x4d: {  	_ =	shalt  }
0x4e: {  	_ =	shalt  }
0x4f: {  	_ =	shalt  }
0x50: {  	_ =	shalt  }
0x51: {  	_ =	shalt  }
0x52: {  	_ =	shalt  }
0x53: {  	_ =	shalt  }
0x54: {  	_ =	shalt  }
0x55: {  	_ =	shalt  }
0x56: {  	_ =	shalt  }
0x57: {  	_ =	shalt  }
0x58: {  	_ =	shalt  }
0x59: {  	_ =	shalt  }
0x5a: {  	_ =	shalt  }
0x5b: {  	_ =	shalt  }
0x5c: {  	_ =	shalt  }
0x5d: {  	_ =	shalt  }
0x5e: {  	_ =	shalt  }
0x5f: {  	_ =	shalt  }
0x60: {  	_ =	shalt  }
0x61: {  	_ =	shalt  }
0x62: {  	_ =	shalt  }
0x63: {  	_ =	shalt  }
0x64: {  	_ =	shalt  }
0x65: {  	_ =	shalt  }
0x66: {  	_ =	shalt  }
0x67: {  	_ =	shalt  }
0x68: {  	_ =	shalt  }
0x69: {  	_ =	shalt  }
0x6a: {  	_ =	shalt  }
0x6b: {  	_ =	shalt  }
0x6c: {  	_ =	shalt  }
0x6d: {  	_ =	shalt  }
0x6e: {  	_ =	shalt  }
0x6f: {  	_ =	shalt  }
0x70: {  	_ =	shalt  }
0x71: {  	_ =	shalt  }
0x72: {  	_ =	shalt  }
0x73: {  	_ =	shalt  }
0x74: {  	_ =	shalt  }
0x75: {  	_ =	shalt  }
0x76: {  	_ =	shalt  }
0x77: {  	_ =	shalt  }
0x78: {  	_ =	shalt  }
0x79: {  	_ =	shalt  }
0x7a: {  	_ =	shalt  }
0x7b: {  	_ =	shalt  }
0x7c: {  	_ =	shalt  }
0x7d: {  	_ =	shalt  }
0x7e: {  	_ =	shalt  }
0x7f: {  	_ =	shalt  }
0x80: {  	_ =	shalt  }
0x81: {  	_ =	shalt  }
0x82: {  	_ =	shalt  }
0x83: {  	_ =	shalt  }
0x84: {  	_ =	shalt  }
0x85: {  	_ =	shalt  }
0x86: {  	_ =	shalt  }
0x87: {  	_ =	shalt  }
.Lfunc_end0:
.L_simem_size_0:
called_computation.1_lowered:
.L_overlay_start_0:
0x88: {  	s2 =	sld [smem:$0x3FD9]  }
0x89: {  	s3 =	sld [smem:$0x3FFE];
	_ =	sdelay $0x1  }
0x8a: {  	s1 =	srdreg.scid  }
0x8b: {  	s0 =	sand.u32 $0x1, s1  }
0x8c: {  	s17 =	sshll.u32 s0, $0xA;
	s2 =	sadd.s32 s3, s2  }
0x8d: {  	s2 =	sadd.s32 s2, s17  }
0x8e: {  	[smem:$0x3FC6] =	sst s2  }
0x8f: {  	_ = 	snop  }
0x90: {  	s2 =	sld [smem:$0x3FD0];
	(tm) =	ssettm $0x1  }
0x91: {  	s18 =	sld [smem:$0x3FFB];
	_ =	sdelay $0x3  }
0x92: {  	_ =	strace s18  }
0x93: {  	s3 =	sld [smem:$0x3FFC];
	_ =	sdelay $0x3  }
0x94: {  	_ =	strace s3  }
0x95: {  	s3 =	sld [smem:$0x3FFD];
	_ =	sdelay $0x3  }
0x96: {  	_ =	strace s3  }
0x97: {  	_ =	strace $0x8FFFFFFF  }
0x98: {  	s19 =	sld [smem:$0x3FDB];
	_ =	sdelay $0x1  }
0x99: {  	s4 =	simm.s32 $_scs_section_size  }
0x9a: {  	s5 =	simm.s32 $_size__tile_overlayer_lowered;
	s6 =	simm.s32 $_tile_overlayer_lowered  }
0x9b: {  	s22 =	simm.s32 $0x1BFF;
	s21 =	sshll.u32 s6, $0x1;
	s3 =	sadd.s32 s4, s19  }
0x9c: {  	s7 =	simm.s32 $0x0;
	s20 =	sshll.u32 s5, $0x1;
	s5 =	sadd.s32 s21, s3  }
0x9d: {  	[timem:s7], [sflag:s22] =	dma.local [hbm:s5], s20  }
0x9e: {  	_ =	swait.ge [sflag:s22], s20  }
0x9f: {  	s4 =	ssub.s32 $0x0, s20;
	[sflag:s22] =	ssyncset.done $0x0  }
0xa0: {  	[sflag:s22] =	ssyncadd.s32 s4;
	_ =	sdelay $0x1  }
0xa1: {  	s23 =	simm.s32 $0x1B8B  }
0xa2: {  	_ =	swait.ge [sflag:s23], $0x1  }
0xa3: {  	[sflag:s23] =	ssyncset.done $0x0  }
0xa4: {  	s25 =	simm.s32 $0x1B8E;
	s24 =	sld [smem:$0x3FFE];
	[sflag:s23] =	ssyncadd.s32 $0xFFFFFFFF  }
0xa5: {  	s26 =	simm.s32 $execute0_lowered;
	[smem:$0x3FD2] =	sst s25  }
0xa6: {  	s5 =	sshll.u32 s26, $0x1;
	_ =	strace $0x80000046;
	[dreg:$0x1] =	wrdreg $0xFFFFFFFF  }
0xa7: {  	s28 =	simm.s32 $_size_execute0_lowered;
	s3 =	sadd.s32 s3, s5;
	[dreg:$0x0] =	wrdreg $0x0  }
0xa8: {  	s5 =	sshll.u32 s28, $0x1;
	[dreg:$0x2] =	wrdreg s3  }
0xa9: {  	[dreg:$0x3] =	wrdreg s5  }
0xaa: {  	[dreg:$0x4] =	wrdreg $0xC0  }
0xab: {  	_ =	task [dreg:s7], $0x5FFFF  }
0xac: {  	[dreg:$0x1] =	wrdreg $0xFFFFFFFF  }
0xad: {  	[dreg:$0x0] =	wrdreg $0x60  }
0xae: {  	[dreg:$0x2] =	wrdreg s24  }
0xaf: {  	[dreg:$0x3] =	wrdreg s2  }
0xb0: {  	[dreg:$0x4] =	wrdreg $0x9  }
0xb1: {  	_ =	task.clear_ibuf [dreg:s7], $0x5FFFF;
	_ =	strace $0x90000046  }
0xb2: {  	s29 =	simm.s32 $0x9;
	_ =	strace $0x80000048  }
0xb3: {  	_ =	swait.ge [sflag:s29], $0x1  }
0xb4: {  	[sflag:s29] =	ssyncadd.s32 $0xFFFFFFFF  }
0xb5: {  	_ =	strace $0x90000048  }
0xb6: {  	_ =	sfence  }
0xb7: {  	s30 =	sld [smem:$0x0];
	_ =	sdelay $0x2  }
0xb8: {  	s31 =	sshll.u32 s1, $0xD;
	s1 =	sshrl.u32 s1, $0x2  }
0xb9: {  	s3 =	sand.u32 $0x4000, s31;
	s1 =	sadd.s32 s1, s30  }
0xba: {  	s0 =	sor.u32 s3, s0;
	s1 =	sshll.u32 s1, $0x11  }
0xbb: {  	s0 =	sor.u32 s1, s0  }
0xbc: {  	s0 =	sadd.s32 $0x8F2B, s0  }
0xbd: {  	[sflag:s0] =	ssyncadd.remote.s32 $0x1  }
0xbe: {  	_ =	sfence.sel $0xFFFF  }
0xbf: {  	[dreg:$0x0] =	wrdreg $0xFFFFFFFF;
	(pc) =	sbr.abs _section_cstart, $3  }
0xc0: {  	[dreg:$0x1] =	wrdreg $0xFFFFFFFF  }
0xc1: {  	_ =	task.clear_ibuf [dreg:s7], $0x2FFFF;
	_ =	strace $0x9FFFFFFF  }
0xc2: {  	(tm) =	ssettm $0x7FFFFFFF  }
0xc3: {  	_ =	shalt  }
tec
execute0_lowered:
.L_overlay_start_1:
0x0: {  	(tag) =	ssettag $0x1  }
0x1: {  	s0 =	rddreg [dreg:$0x0];
	s1 =	srdreg.scid  }
0x2: {  	s10 =	stileid.u32;
	s8 =	rddreg [dreg:$0x1];
	s2 =	simm.s32 $0x0  }
0x3: {  	s11 =	simm.s32 $0x80;
	s12 =	simm.s32 $0x6400;
	s13 =	simm.s32 $0x8400  }
0x4: {  	s15 =	simm.s32 $0xA400;
	s17 =	simm.s32 $0xC400;
	s19 =	simm.s32 $0xE400  }
0x5: {  	s20 =	simm.s32 $0x1;
	s21 =	simm.s32 $0x10400;
	s22 =	simm.s32 $0x12400  }
0x6: {  	s23 =	simm.s32 $0x14400;
	s30 =	simm.s32 $0x6280;
	s9 =	smul.u32 $0x190, s10  }
0x7: {  	s31 =	simm.s32 $0x6300;
	s1 =	sand.u32 $0x1, s1;
	s26 =	smul.u32 $0x64000, s10  }
0x8: {  	s3 =	sshll.u32 s10, $0x1;
	[smem:$0x7FF] =	sst s2;
	s25 =	smul.u32 $0xC8, s1  }
0x9: {  	s3 =	sor.u32 s1, s3;
	s5 =	ssub.s32 $0x2, s1;
	s1 =	smul.u32 $0x32000, s1  }
0xa: {  	s10 =	simm.s32 $0x3;
	_ =	strace $0x80000047;
	s4 =	smul.u32 $0xC80, s3  }
0xb: {  	s6 =	smul.u32 $0x32000, s3;
	s7 =	sshrl.u32 s5, $0x1;
	s3 =	sadd.s32 $0xF42E00, s0  }
0xc: {  	s24 =	ssub.s32 s5, s7;
	s7 =	sadd.s32 s25, s9;
	s25 =	simm.s32 $0x18400  }
0xd: {  	s4 =	sadd.s32 s4, s0;
	s5 =	smax.u32 s24, $0x1;
	s28 =	sadd.s32 s8, s6  }
0xe: {  	s0 =	sadd.s32 s26, s8;
	s9 =	sshll.u32 s7, $0xA;
	s24 =	simm.s32 $0x16400  }
0xf: {  	s26 =	simm.s32 $0x2;
	s4 =	sadd.s32 $0xA00, s4;
	s6 =	sadd.s32 $0x2F800, s28  }
0x10: {  	s7 =	sadd.s32 $0x30C00, s28;
	s16 =	sadd.s32 s1, s0;
	s29 =	sadd.s32 s9, s8  }
0x11: {  	s1 =	simm.s32 $0x6380;
	s0 =	simm.s32 $0x0;
	s18 =	sadd.s32 $0x1400, s29  }
.LBB2_1:
0x12: {  	[tilespmem:s2], [sflag:$0x3] =	stream.linear.gather [hbm4b:s4+s2], $0x6400, $0x38;
	[tilespmem:$0x1A400] =	vst v63  }
0x13: {  	_ =	swait.ge [sflag:s10], $0x6400  }
0x14: {  	[sflag:s10] =	ssyncset.done $0x0  }
0x15: {  	[sflag:s10] =	ssyncadd.s32 $0xFFFF9C00  }
0x16: {  	[tilespmem:s12], [sflag:$0x1] =	stream.indirect.gather [hbm4b:s3+s11], $0x40, s2, s11, $0xb8;
	[tilespmem:$0x1A400] =	vst v63  }
0x17: {  	_ = 	snop  }
0x18: {  	[tilespmem:s13], [sflag:$0x1] =	stream.indirect.gather [hbm4b:s3+s11], $0x40, s11, s11, $0xb8;
	[tilespmem:$0x1A400] =	vst v63  }
0x19: {  	s8 =	simm.s32 $0x100  }
0x1a: {  	[tilespmem:s15], [sflag:$0x1] =	stream.indirect.gather [hbm4b:s3+s11], $0x40, s8, s11, $0xb8;
	[tilespmem:$0x1A400] =	vst v63  }
0x1b: {  	s9 =	simm.s32 $0x180  }
0x1c: {  	[tilespmem:s17], [sflag:$0x1] =	stream.indirect.gather [hbm4b:s3+s11], $0x40, s9, s11, $0xb8;
	[tilespmem:$0x1A400] =	vst v63  }
0x1d: {  	s14 =	simm.s32 $0x200  }
0x1e: {  	[tilespmem:s19], [sflag:$0x1] =	stream.indirect.gather [hbm4b:s3+s11], $0x40, s14, s11, $0xb8;
	[tilespmem:$0x1A400] =	vst v63  }
0x1f: {  	_ =	swait.ge [sflag:s20], $0x2000  }
0x20: {  	[sflag:s20] =	ssyncset.done $0x0  }
0x21: {  	[sflag:s20] =	ssyncadd.s32 $0xFFFFE000  }
0x22: {  	_ =	swait.ge [sflag:s20], $0x2000  }
0x23: {  	[sflag:s20] =	ssyncset.done $0x0  }
0x24: {  	[sflag:s20] =	ssyncadd.s32 $0xFFFFE000  }
0x25: {  	_ =	swait.ge [sflag:s20], $0x2000  }
0x26: {  	[sflag:s20] =	ssyncset.done $0x0  }
0x27: {  	[sflag:s20] =	ssyncadd.s32 $0xFFFFE000  }
0x28: {  	_ =	swait.ge [sflag:s20], $0x2000  }
0x29: {  	[sflag:s20] =	ssyncset.done $0x0  }
0x2a: {  	[sflag:s20] =	ssyncadd.s32 $0xFFFFE000  }
0x2b: {  	_ =	swait.ge [sflag:s20], $0x2000  }
0x2c: {  	[sflag:s20] =	ssyncset.done $0x0  }
0x2d: {  	s28 =	simm.s32 $0x280;
	[sflag:s20] =	ssyncadd.s32 $0xFFFFE000  }
0x2e: {  	[tilespmem:s21], [sflag:$0x2] =	stream.indirect.gather [hbm4b:s3+s11], $0x40, s28, s11, $0xb8;
	[tilespmem:$0x1A400] =	vst v63  }
0x2f: {  	s29 =	simm.s32 $0x300  }
0x30: {  	[tilespmem:s22], [sflag:$0x2] =	stream.indirect.gather [hbm4b:s3+s11], $0x40, s29, s11, $0xb8;
	[tilespmem:$0x1A400] =	vst v63  }
0x31: {  	s9 =	simm.s32 $0x380  }
0x32: {  	[tilespmem:s23], [sflag:$0x2] =	stream.indirect.gather [hbm4b:s3+s11], $0x40, s9, s11, $0xb8;
	[tilespmem:$0x1A400] =	vst v63  }
0x33: {  	s14 =	simm.s32 $0x400  }
0x34: {  	[tilespmem:s24], [sflag:$0x2] =	stream.indirect.gather [hbm4b:s3+s11], $0x40, s14, s11, $0xb8;
	[tilespmem:$0x1A400] =	vst v63  }
0x35: {  	s28 =	simm.s32 $0x480  }
0x36: {  	[tilespmem:s25], [sflag:$0x2] =	stream.indirect.gather [hbm4b:s3+s11], $0x40, s28, s11, $0xb8;
	[tilespmem:$0x1A400] =	vst v63  }
0x37: {  	_ = 	snop  }
0x38: {  	[hbm4b:s16+s2] =	stream.linear.scatter [tilespmem:s12], [sflag:$0x3], $0xA000, $0x38;
	[tilespmem:$0x1A400] =	vst v63  }
0x39: {  	_ =	swait.ge [sflag:s10], $0xA000  }
0x3a: {  	[sflag:s10] =	ssyncset.done $0x0  }
0x3b: {  	[sflag:s10] =	ssyncadd.s32 $0xFFFF6000  }
0x3c: {  	_ =	swait.ge [sflag:s26], $0x2000  }
0x3d: {  	[sflag:s26] =	ssyncset.done $0x0  }
0x3e: {  	[sflag:s26] =	ssyncadd.s32 $0xFFFFE000  }
0x3f: {  	_ =	swait.ge [sflag:s26], $0x2000  }
0x40: {  	[sflag:s26] =	ssyncset.done $0x0  }
0x41: {  	[sflag:s26] =	ssyncadd.s32 $0xFFFFE000  }
0x42: {  	_ =	swait.ge [sflag:s26], $0x2000  }
0x43: {  	[sflag:s26] =	ssyncset.done $0x0  }
0x44: {  	[sflag:s26] =	ssyncadd.s32 $0xFFFFE000  }
0x45: {  	_ =	swait.ge [sflag:s26], $0x2000  }
0x46: {  	[sflag:s26] =	ssyncset.done $0x0  }
0x47: {  	[sflag:s26] =	ssyncadd.s32 $0xFFFFE000  }
0x48: {  	_ =	swait.ge [sflag:s26], $0x2000  }
0x49: {  	[sflag:s26] =	ssyncset.done $0x0  }
0x4a: {  	s29 =	simm.s32 $0x500;
	[sflag:s26] =	ssyncadd.s32 $0xFFFFE000  }
0x4b: {  	[tilespmem:s12], [sflag:$0x1] =	stream.indirect.gather [hbm4b:s3+s11], $0x40, s29, s11, $0xb8;
	[tilespmem:$0x1A400] =	vst v63  }
0x4c: {  	s9 =	simm.s32 $0x580  }
0x4d: {  	[tilespmem:s13], [sflag:$0x1] =	stream.indirect.gather [hbm4b:s3+s11], $0x40, s9, s11, $0xb8;
	[tilespmem:$0x1A400] =	vst v63  }
0x4e: {  	s14 =	simm.s32 $0x600  }
0x4f: {  	[tilespmem:s15], [sflag:$0x1] =	stream.indirect.gather [hbm4b:s3+s11], $0x40, s14, s11, $0xb8;
	[tilespmem:$0x1A400] =	vst v63  }
0x50: {  	s28 =	simm.s32 $0x680  }
0x51: {  	[tilespmem:s17], [sflag:$0x1] =	stream.indirect.gather [hbm4b:s3+s11], $0x40, s28, s11, $0xb8;
	[tilespmem:$0x1A400] =	vst v63  }
0x52: {  	s29 =	simm.s32 $0x700  }
0x53: {  	[tilespmem:s19], [sflag:$0x1] =	stream.indirect.gather [hbm4b:s3+s11], $0x40, s29, s11, $0xb8;
	[tilespmem:$0x1A400] =	vst v63  }
0x54: {  	_ = 	snop  }
0x55: {  	[hbm4b:s18+s2] =	stream.linear.scatter [tilespmem:s21], [sflag:$0x3], $0xA000, $0x38;
	[tilespmem:$0x1A400] =	vst v63  }
0x56: {  	s8 =	smov.u32 s16;
	_ =	swait.ge [sflag:s10], $0xA000  }
0x57: {  	s9 =	smov.u32 s18;
	s14 =	simm.s32 $0x1400;
	[sflag:s10] =	ssyncset.done $0x0  }
.LBB2_2:
0x58: {  	[sflag:s10] =	ssyncadd.s32 $0xFFFF6000;
	s8 =	sadd.s32 $0x2800, s8;
	s9 =	sadd.s32 $0x2800, s9  }
0x59: {  	p0 =	sne.s32 s14, $0x16800;
	s28 =	smov.u32 s14;
	s14 =	sadd.s32 $0x1400, s14  }
0x5a: {  	_ =	swait.ge [sflag:s20], $0x2000  }
0x5b: {  	[sflag:s20] =	ssyncset.done $0x0  }
0x5c: {  	[sflag:s20] =	ssyncadd.s32 $0xFFFFE000  }
0x5d: {  	_ =	swait.ge [sflag:s20], $0x2000  }
0x5e: {  	[sflag:s20] =	ssyncset.done $0x0  }
0x5f: {  	[sflag:s20] =	ssyncadd.s32 $0xFFFFE000  }
0x60: {  	_ =	swait.ge [sflag:s20], $0x2000  }
0x61: {  	[sflag:s20] =	ssyncset.done $0x0  }
0x62: {  	[sflag:s20] =	ssyncadd.s32 $0xFFFFE000  }
0x63: {  	_ =	swait.ge [sflag:s20], $0x2000  }
0x64: {  	[sflag:s20] =	ssyncset.done $0x0  }
0x65: {  	[sflag:s20] =	ssyncadd.s32 $0xFFFFE000  }
0x66: {  	_ =	swait.ge [sflag:s20], $0x2000  }
0x67: {  	s28 =	sshra.s32 s28, $0x2;
	[sflag:s20] =	ssyncset.done $0x0  }
0x68: {  	s29 =	sadd.s32 $0x280, s28;
	[sflag:s20] =	ssyncadd.s32 $0xFFFFE000  }
0x69: {  	[tilespmem:s21], [sflag:$0x2] =	stream.indirect.gather [hbm4b:s3+s11], $0x40, s29, s11, $0xb8;
	[tilespmem:$0x1A400] =	vst v63  }
0x6a: {  	s29 =	sadd.s32 $0x300, s28  }
0x6b: {  	[tilespmem:s22], [sflag:$0x2] =	stream.indirect.gather [hbm4b:s3+s11], $0x40, s29, s11, $0xb8;
	[tilespmem:$0x1A400] =	vst v63  }
0x6c: {  	s29 =	sadd.s32 $0x380, s28  }
0x6d: {  	[tilespmem:s23], [sflag:$0x2] =	stream.indirect.gather [hbm4b:s3+s11], $0x40, s29, s11, $0xb8;
	[tilespmem:$0x1A400] =	vst v63  }
0x6e: {  	s29 =	sadd.s32 $0x400, s28  }
0x6f: {  	[tilespmem:s24], [sflag:$0x2] =	stream.indirect.gather [hbm4b:s3+s11], $0x40, s29, s11, $0xb8;
	[tilespmem:$0x1A400] =	vst v63  }
0x70: {  	s29 =	sadd.s32 $0x480, s28  }
0x71: {  	[tilespmem:s25], [sflag:$0x2] =	stream.indirect.gather [hbm4b:s3+s11], $0x40, s29, s11, $0xb8;
	[tilespmem:$0x1A400] =	vst v63  }
0x72: {  	_ = 	snop  }
0x73: {  	[hbm4b:s8+s2] =	stream.linear.scatter [tilespmem:s12], [sflag:$0x3], $0xA000, $0x38;
	[tilespmem:$0x1A400] =	vst v63  }
0x74: {  	_ =	swait.ge [sflag:s10], $0xA000  }
0x75: {  	[sflag:s10] =	ssyncset.done $0x0  }
0x76: {  	[sflag:s10] =	ssyncadd.s32 $0xFFFF6000  }
0x77: {  	_ =	swait.ge [sflag:s26], $0x2000  }
0x78: {  	[sflag:s26] =	ssyncset.done $0x0  }
0x79: {  	[sflag:s26] =	ssyncadd.s32 $0xFFFFE000  }
0x7a: {  	_ =	swait.ge [sflag:s26], $0x2000  }
0x7b: {  	[sflag:s26] =	ssyncset.done $0x0  }
0x7c: {  	[sflag:s26] =	ssyncadd.s32 $0xFFFFE000  }
0x7d: {  	_ =	swait.ge [sflag:s26], $0x2000  }
0x7e: {  	[sflag:s26] =	ssyncset.done $0x0  }
0x7f: {  	[sflag:s26] =	ssyncadd.s32 $0xFFFFE000  }
0x80: {  	_ =	swait.ge [sflag:s26], $0x2000  }
0x81: {  	[sflag:s26] =	ssyncset.done $0x0  }
0x82: {  	[sflag:s26] =	ssyncadd.s32 $0xFFFFE000  }
0x83: {  	_ =	swait.ge [sflag:s26], $0x2000  }
0x84: {  	[sflag:s26] =	ssyncset.done $0x0  }
0x85: {  	s29 =	sadd.s32 $0x500, s28;
	[sflag:s26] =	ssyncadd.s32 $0xFFFFE000  }
0x86: {  	[tilespmem:s12], [sflag:$0x1] =	stream.indirect.gather [hbm4b:s3+s11], $0x40, s29, s11, $0xb8;
	[tilespmem:$0x1A400] =	vst v63  }
0x87: {  	s29 =	sadd.s32 $0x580, s28  }
0x88: {  	[tilespmem:s13], [sflag:$0x1] =	stream.indirect.gather [hbm4b:s3+s11], $0x40, s29, s11, $0xb8;
	[tilespmem:$0x1A400] =	vst v63  }
0x89: {  	s29 =	sadd.s32 $0x600, s28  }
0x8a: {  	[tilespmem:s15], [sflag:$0x1] =	stream.indirect.gather [hbm4b:s3+s11], $0x40, s29, s11, $0xb8;
	[tilespmem:$0x1A400] =	vst v63  }
0x8b: {  	s29 =	sadd.s32 $0x680, s28  }
0x8c: {  	[tilespmem:s17], [sflag:$0x1] =	stream.indirect.gather [hbm4b:s3+s11], $0x40, s29, s11, $0xb8;
	[tilespmem:$0x1A400] =	vst v63  }
0x8d: {  	s28 =	sadd.s32 $0x700, s28  }
0x8e: {  	[tilespmem:s19], [sflag:$0x1] =	stream.indirect.gather [hbm4b:s3+s11], $0x40, s28, s11, $0xb8;
	[tilespmem:$0x1A400] =	vst v63  }
.Ltmp0:
0x8f: {  	_ = 	snop;
	(pc) =	sbr.rel @p0 .LBB2_2-.Ltmp0, $4  }
0x90: {  	_ = 	snop  }
0x91: {  	[hbm4b:s9+s2] =	stream.linear.scatter [tilespmem:s21], [sflag:$0x3], $0xA000, $0x38;
	[tilespmem:$0x1A400] =	vst v63  }
0x92: {  	_ =	swait.ge [sflag:s10], $0xA000  }
0x93: {  	[sflag:s10] =	ssyncset.done $0x0  }
0x94: {  	[sflag:s10] =	ssyncadd.s32 $0xFFFF6000  }
0x95: {  	_ =	swait.ge [sflag:s20], $0x2000  }
0x96: {  	[sflag:s20] =	ssyncset.done $0x0  }
0x97: {  	[sflag:s20] =	ssyncadd.s32 $0xFFFFE000  }
0x98: {  	_ =	swait.ge [sflag:s20], $0x2000  }
0x99: {  	[sflag:s20] =	ssyncset.done $0x0  }
0x9a: {  	[sflag:s20] =	ssyncadd.s32 $0xFFFFE000  }
0x9b: {  	_ =	swait.ge [sflag:s20], $0x2000  }
0x9c: {  	[sflag:s20] =	ssyncset.done $0x0  }
0x9d: {  	[sflag:s20] =	ssyncadd.s32 $0xFFFFE000  }
0x9e: {  	_ =	swait.ge [sflag:s20], $0x2000  }
0x9f: {  	[sflag:s20] =	ssyncset.done $0x0  }
0xa0: {  	[sflag:s20] =	ssyncadd.s32 $0xFFFFE000  }
0xa1: {  	_ =	swait.ge [sflag:s20], $0x2000  }
0xa2: {  	[sflag:s20] =	ssyncset.done $0x0  }
0xa3: {  	s8 =	simm.s32 $0x6180;
	[sflag:s20] =	ssyncadd.s32 $0xFFFFE000  }
0xa4: {  	[tilespmem:s21], [sflag:$0x2] =	stream.indirect.gather [hbm4b:s3+s11], $0x40, s8, s11, $0xb8;
	[tilespmem:$0x1A400] =	vst v63  }
0xa5: {  	s29 =	simm.s32 $0x6200  }
0xa6: {  	[tilespmem:s22], [sflag:$0x2] =	stream.indirect.gather [hbm4b:s3+s11], $0x40, s29, s11, $0xb8;
	[tilespmem:$0x1A400] =	vst v63  }
0xa7: {  	_ = 	snop  }
0xa8: {  	[tilespmem:s23], [sflag:$0x2] =	stream.indirect.gather [hbm4b:s3+s11], $0x40, s30, s11, $0xb8;
	[tilespmem:$0x1A400] =	vst v63  }
0xa9: {  	_ = 	snop  }
0xaa: {  	[tilespmem:s24], [sflag:$0x2] =	stream.indirect.gather [hbm4b:s3+s11], $0x40, s31, s11, $0xb8;
	[tilespmem:$0x1A400] =	vst v63  }
0xab: {  	_ = 	snop  }
0xac: {  	[tilespmem:s25], [sflag:$0x2] =	stream.indirect.gather [hbm4b:s3+s11], $0x40, s1, s11, $0xb8;
	[tilespmem:$0x1A400] =	vst v63  }
0xad: {  	_ = 	snop  }
0xae: {  	[hbm4b:s6+s2] =	stream.linear.scatter [tilespmem:s12], [sflag:$0x3], $0xA000, $0x38;
	[tilespmem:$0x1A400] =	vst v63  }
0xaf: {  	_ =	swait.ge [sflag:s10], $0xA000  }
0xb0: {  	[sflag:s10] =	ssyncset.done $0x0  }
0xb1: {  	[sflag:s10] =	ssyncadd.s32 $0xFFFF6000  }
0xb2: {  	_ =	swait.ge [sflag:s26], $0x2000  }
0xb3: {  	[sflag:s26] =	ssyncset.done $0x0  }
0xb4: {  	[sflag:s26] =	ssyncadd.s32 $0xFFFFE000  }
0xb5: {  	_ =	swait.ge [sflag:s26], $0x2000  }
0xb6: {  	[sflag:s26] =	ssyncset.done $0x0  }
0xb7: {  	[sflag:s26] =	ssyncadd.s32 $0xFFFFE000  }
0xb8: {  	_ =	swait.ge [sflag:s26], $0x2000  }
0xb9: {  	[sflag:s26] =	ssyncset.done $0x0  }
0xba: {  	[sflag:s26] =	ssyncadd.s32 $0xFFFFE000  }
0xbb: {  	_ =	swait.ge [sflag:s26], $0x2000  }
0xbc: {  	[sflag:s26] =	ssyncset.done $0x0  }
0xbd: {  	[sflag:s26] =	ssyncadd.s32 $0xFFFFE000  }
0xbe: {  	s0 =	sadd.s32 $0x1, s0;
	_ =	swait.ge [sflag:s26], $0x2000  }
0xbf: {  	p0 =	sne.s32 s0, s5;
	[sflag:s26] =	ssyncset.done $0x0  }
.Ltmp1:
0xc0: {  	[sflag:s26] =	ssyncadd.s32 $0xFFFFE000;
	(pc) =	sbr.rel @p0 .LBB2_1-.Ltmp1, $4  }
0xc1: {  	[hbm4b:s7+s2] =	stream.linear.scatter [tilespmem:s21], [sflag:$0x3], $0xA000, $0x38;
	[tilespmem:$0x1A400] =	vst v63  }
0xc2: {  	_ =	swait.ge [sflag:s10], $0xA000  }
0xc3: {  	[sflag:s10] =	ssyncset.done $0x0  }
0xc4: {  	[sflag:s10] =	ssyncadd.s32 $0xFFFF6000  }
0xc5: {  	_ =	sfence.sel $0x180000  }
0xc6: {  	[bflag:$0x0] =	sbarrier.arrive $0xFFFF  }
0xc7: {  	_ =	strace $0x90000047  }
0xc8: {  	s0 =	stileid.u32;
	[bflag:$0x2] =	sbarrier.arrive $0xFFFF  }
0xc9: {  	p0 =	sne.s32 s0, $0x0;
	s0 =	rddreg [dreg:$0x2]  }
0xca: {  	s0 =	sadd.s32 @!p0 $0x100000, s0  }
0xcb: {  	[sflag:s0] =	ssyncadd.tile.s32 @!p0 $0x1;
	_ =	shalt  }
.Lfunc_end2:
_tile_overlayer_lowered:
.L_overlay_start_2:
0xcc: {  	(tag) =	ssettag $0x2  }
0xcd: {  	s0 =	rddreg [dreg:$0x0];
	s2 =	stileid.u32  }
0xce: {  	s1 =	rddreg [dreg:$0x1];
	p0 =	sne.s32 s2, $0x0  }
0xcf: {  	s3 =	rddreg [dreg:$0x2];
	[bflag:$0x3] =	sbarrier.arrive $0xFFFF;
	s2 =	simm.s32 @!p0 $0x1C03  }
0xd0: {  	[timem:s3], [sflag:s2] =	dma.local @!p0 [hbm:s0], s1  }
0xd1: {  	s0 =	simm.s32 @!p0 $0x3  }
0xd2: {  	_ =	swait.ge @!p0 [sflag:s0], s1  }
0xd3: {  	s1 =	ssub.s32 @!p0 $0x0, s1;
	[sflag:s0] =	ssyncset.done @!p0 $0x0  }
0xd4: {  	[sflag:s0] =	ssyncadd.s32 @!p0 s1  }
0xd5: {  	[bflag:$0x3] =	sbarrier.arrive $0xFFFF  }
0xd6: {  	_ =	shalt  }

// kernel: sparse-core-data-format-call.cloned.1.call-start
scs
called_computation_lowered:
.L_overlay_start_0:
0x0: {  	s2 =	sld [smem:$0x3FD9]  }
0x1: {  	s3 =	sld [smem:$0x3FFE];
	_ =	sdelay $0x1  }
0x2: {  	s1 =	srdreg.scid  }
0x3: {  	s0 =	sand.u32 $0x1, s1  }
0x4: {  	s18 =	sshll.u32 s0, $0xA;
	s2 =	sadd.s32 s3, s2  }
0x5: {  	s2 =	sadd.s32 s2, s18  }
0x6: {  	[smem:$0x3FC6] =	sst s2  }
0x7: {  	_ = 	snop  }
0x8: {  	s2 =	sld [smem:$0x3FD0];
	(tm) =	ssettm $0x1  }
0x9: {  	s19 =	sld [smem:$0x3FFB];
	_ =	sdelay $0x3  }
0xa: {  	_ =	strace s19  }
0xb: {  	s3 =	sld [smem:$0x3FFC];
	_ =	sdelay $0x3  }
0xc: {  	_ =	strace s3  }
0xd: {  	s3 =	sld [smem:$0x3FFD];
	_ =	sdelay $0x3  }
0xe: {  	_ =	strace s3  }
0xf: {  	_ =	strace $0x8FFFFFFF  }
0x10: {  	s20 =	sld [smem:$0x3FDB];
	_ =	sdelay $0x1  }
0x11: {  	s4 =	simm.s32 $_scs_section_size  }
0x12: {  	s5 =	simm.s32 $_size__tile_overlayer_lowered;
	s6 =	simm.s32 $_tile_overlayer_lowered  }
0x13: {  	s23 =	simm.s32 $0x1BFF;
	s22 =	sshll.u32 s6, $0x1;
	s3 =	sadd.s32 s4, s20  }
0x14: {  	s7 =	simm.s32 $0x0;
	s21 =	sshll.u32 s5, $0x1;
	s5 =	sadd.s32 s22, s3  }
0x15: {  	[timem:s7], [sflag:s23] =	dma.local [hbm:s5], s21  }
0x16: {  	_ =	swait.ge [sflag:s23], s21  }
0x17: {  	s4 =	ssub.s32 $0x0, s21;
	[sflag:s23] =	ssyncset.done $0x0  }
0x18: {  	[sflag:s23] =	ssyncadd.s32 s4;
	_ =	sdelay $0x1  }
0x19: {  	s24 =	simm.s32 $0x1B8B  }
0x1a: {  	_ =	swait.ge [sflag:s24], $0x1  }
0x1b: {  	[sflag:s24] =	ssyncset.done $0x0  }
0x1c: {  	s26 =	simm.s32 $0x1B8E;
	s25 =	sld [smem:$0x3FFE];
	[sflag:s24] =	ssyncadd.s32 $0xFFFFFFFF  }
0x1d: {  	s27 =	simm.s32 $execute0_lowered;
	[smem:$0x3FD2] =	sst s26  }
0x1e: {  	s5 =	sshll.u32 s27, $0x1;
	_ =	strace $0x80000049;
	[dreg:$0x1] =	wrdreg $0xFFFFFFFF  }
0x1f: {  	s28 =	simm.s32 $_size_execute0_lowered;
	s3 =	sadd.s32 s3, s5;
	[dreg:$0x0] =	wrdreg $0x0  }
0x20: {  	s5 =	sshll.u32 s28, $0x1;
	[dreg:$0x2] =	wrdreg s3  }
0x21: {  	[dreg:$0x3] =	wrdreg s5  }
0x22: {  	[dreg:$0x4] =	wrdreg $0xC0  }
0x23: {  	_ =	task [dreg:s7], $0x5FFFF  }
0x24: {  	[dreg:$0x1] =	wrdreg $0xFFFFFFFF  }
0x25: {  	[dreg:$0x0] =	wrdreg $0x60  }
0x26: {  	[dreg:$0x2] =	wrdreg s25  }
0x27: {  	[dreg:$0x3] =	wrdreg s2  }
0x28: {  	[dreg:$0x4] =	wrdreg $0x9  }
0x29: {  	_ =	task.clear_ibuf [dreg:s7], $0x5FFFF;
	_ =	strace $0x90000049  }
0x2a: {  	s29 =	simm.s32 $0x9;
	_ =	strace $0x8000004B  }
0x2b: {  	_ =	swait.ge [sflag:s29], $0x1  }
0x2c: {  	[sflag:s29] =	ssyncadd.s32 $0xFFFFFFFF  }
0x2d: {  	_ =	strace $0x9000004B  }
0x2e: {  	_ =	sfence  }
0x2f: {  	s30 =	sld [smem:$0x0];
	_ =	sdelay $0x2  }
0x30: {  	s31 =	sshll.u32 s1, $0xD;
	s1 =	sshrl.u32 s1, $0x2  }
0x31: {  	s3 =	sand.u32 $0x4000, s31;
	s1 =	sadd.s32 s1, s30  }
0x32: {  	s0 =	sor.u32 s3, s0;
	s1 =	sshll.u32 s1, $0x11  }
0x33: {  	s0 =	sor.u32 s1, s0  }
0x34: {  	s0 =	sadd.s32 $0x8F2B, s0  }
0x35: {  	[sflag:s0] =	ssyncadd.remote.s32 $0x1  }
0x36: {  	_ =	sfence.sel $0xFFFF  }
0x37: {  	[dreg:$0x0] =	wrdreg $0xFFFFFFFF;
	(pc) =	sbr.abs _section_cstart, $3  }
0x38: {  	[dreg:$0x1] =	wrdreg $0xFFFFFFFF  }
0x39: {  	_ =	task.clear_ibuf [dreg:s7], $0x2FFFF;
	_ =	strace $0x9FFFFFFF  }
0x3a: {  	(tm) =	ssettm $0x7FFFFFFF  }
0x3b: {  	_ =	shalt  }
tec
execute0_lowered:
.L_overlay_start_1:
0x0: {  	(tag) =	ssettag $0x1  }
0x1: {  	s0 =	srdreg.scid  }
0x2: {  	s1 =	sshll.u32 s0, $0x4  }
0x3: {  	s5 =	rddreg [dreg:$0x0];
	s0 =	stileid.u32;
	s1 =	sand.u32 $0x10, s1  }
0x4: {  	s3 =	rddreg [dreg:$0x1];
	s31 =	simm.s32 $0x2;
	s4 =	sor.u32 s0, s1  }
0x5: {  	s13 =	simm.s32 $0x0;
	s9 =	simm.s32 $0x400;
	s2 =	sshll.u32 s4, $0x7  }
0x6: {  	s10 =	simm.s32 $0x8000;
	s14 =	simm.s32 $0x0;
	s6 =	ssub.s32 $0x1000, s2  }
0x7: {  	s1 =	rddreg [dreg:$0x2];
	_ =	strace $0x8000004A;
	s7 =	sand.u32 $0xF80, s6  }
0x8: {  	s4 =	sshll.u32 s4, $0xB;
	p0 =	sne.s32 s7, $0x0;
	s7 =	simm.s32 $0x1  }
.Ltmp0:
0x9: {  	s6 =	sshrl.u32 s6, $0xC;
	s7 =	simm.s32 @!p0 $0x0;
	(pc) =	sbr.rel .LBB1_1-.Ltmp0, $4  }
0xa: {  	s8 =	sadd.s32 s4, s5;
	s4 =	simm.s32 $0x1;
	s30 =	sadd.s32 s7, s6  }
0xb: {  	s11 =	simm.s32 $0x0;
	[sflag:s4] =	ssyncpa.u1 $0x0;
	s5 =	smul.u32 $0x64, s30  }
0xc: {  	s12 =	simm.s32 $0x0;
	[sflag:s31] =	ssyncpa.u1 $0x0;
	p0 =	por $0x0, $0x0  }
0xd: {  	s6 =	sadd.s32 $0xA00, s8;
	s7 =	sadd.s32 $0x10A00, s8;
	s8 =	sor.u32 $0x1, s5  }
.LBB1_7:
0xe: {  	s15 =	sadd.s32 $0x2, s11  }
0xf: {  	p2 =	sgt.s32 s15, $0xC7  }
0x10: {  	s15 =	simm.s32 @p2 $0x0;
	p2 =	sne.s32 s12, s8  }
.Ltmp1:
0x11: {  	p1 =	slt.u32 s12, $0x2;
	(pc) =	sbr.rel @!p2 .LBB1_8-.Ltmp1, $4  }
0x12: {  	s13 =	simm.s32 @!p1 $0x2  }
0x13: {  	s16 =	sadd.s32 $0x1, s12;
	s14 =	smov.u32 s11;
	_ =	swait.ge @!p1 [sflag:s13], $0x4000  }
0x14: {  	p0 =	por !p0, !p0;
	s12 =	smov.u32 s16;
	[sflag:s13] =	ssyncset.done @!p1 $0x0  }
0x15: {  	s11 =	smov.u32 s15;
	[sflag:s13] =	ssyncadd.s32 @!p1 $0xFFFFC000;
	s13 =	smov.u32 s2  }
.LBB1_1:
0x16: {  	p1 =	sge.u32 s12, s5  }
0x17: {  	s15 =	sxor.u32 @!p1 $0xFFFFFFFF, s12  }
0x18: {  	s16 =	sshll.u32 @!p1 s11, $0x10;
	s18 =	simm.s32 @!p1 $0x40;
	s15 =	sshll.u32 @!p1 s15, $0xE  }
0x19: {  	s19 =	simm.s32 @!p1 $0x80;
	s17 =	sadd.s32 @!p1 s16, s6;
	s15 =	sand.u32 @!p1 $0x4000, s15  }
0x1a: {  	[tilespmem:s15], [sflag:$0x1] =	stream.strided.gather @!p1 [hbm4b:s17+s18], $0x2000, s19, s18, $0x38;
	[tilespmem:$0x10100] =	vst v63  }
0x1b: {  	s31 =	sadd.s32 $0xFFFFFFFF, s12;
	s16 =	sadd.s32 @!p1 s16, s7;
	s15 =	sor.u32 @!p1 $0x2000, s15  }
0x1c: {  	[tilespmem:s15], [sflag:$0x1] =	stream.strided.gather @!p1 [hbm4b:s16+s18], $0x2000, s19, s18, $0x38;
	[tilespmem:$0x10100] =	vst v63  }
0x1d: {  	p1 =	sge.u32 s31, s5  }
.Ltmp2:
0x1e: {  	_ = 	snop;
	(pc) =	sbr.rel @p1 .LBB1_7-.Ltmp2, $1  }
0x1f: {  	_ =	sdelay $0x3  }
0x20: {  	s15 =	simm.s32 $0x1;
	s17 =	sand.u32 $0x1, s12  }
0x21: {  	_ =	swait.ge [sflag:s4], $0x4000;
	s15 =	simm.s32 @!p0 $0x0;
	s17 =	smul.u32 $0x10200, s17  }
0x22: {  	p2 =	por $0x1, $0x1;
	[sflag:s4] =	ssyncset.done $0x0;
	s16 =	smul.u32 $0x10200, s15  }
0x23: {  	s18 =	sshll.u32 s15, $0x10;
	[sflag:s4] =	ssyncadd.s32 $0xFFFFC000;
	s30 =	sshrl.u32 s17, $0x2  }
0x24: {  	s31 =	sshrl.u32 s18, $0x2;
	s18 =	simm.s32 $0x0;
	s16 =	sshrl.u32 s16, $0x2  }
0x25: {  	s15 =	sor.u32 $0x8000, s30;
	s17 =	sadd.s32 $0x20, s31;
	s16 =	sor.u32 $0x8000, s16  }
.LBB1_3:
0x26: {  	s19 =	sshll.u32 s18, $0xD  }
0x27: {  	s19 =	sand.u32 $0x3FFFE000, s19  }
0x28: {  	s21 =	sadd.s32 s19, s17  }
0x29: {  	s31 =	smul.u32 $0x8100, s18;
	v3 =	vld [tilespmem:s21+$0x10]  }
0x2a: {  	v1 =	vld [tilespmem:s21+$0xFFFFFFF0]  }
0x2b: {  	s18 =	sshra.s32 s31, $0x2;
	v0 =	vld [tilespmem:s21+$0x0]  }
0x2c: {  	s18 =	sadd.s32 s18, s16;
	v2 =	vld [tilespmem:s21+$0xFFFFFFE0]  }
0x2d: {  	s19 =	sadd.s32 $0x0, s18  }
0x2e: {  	p1 =	por p2, p2;
	s20 =	simm.s32 $0x4;
	s21 =	sadd.s32 $0x40, s21;
	[tilespmem:s19+$0x1830 ss:$0x81] =	vst.msk $0xffff, v3  }
.LBB1_4:
0x2f: {  	v3 =	vld [tilespmem:s21+$0x10];
	p2 =	sne.s32 s20, $0x1FC;
	[tilespmem:s19+$0x810 ss:$0x81] =	vst.msk $0xffff, v1;
	s22 =	smov.u32 s20;
	s20 =	sadd.s32 $0x4, s20  }
.Ltmp3:
0x30: {  	v1 =	vld [tilespmem:s21+$0xFFFFFFF0];
	[tilespmem:s19+$0x1020 ss:$0x81] =	vst.msk $0xffff, v0;
	(pc) =	sbr.rel @p2 .LBB1_4-.Ltmp3, $4  }
0x31: {  	v0 =	vld [tilespmem:s21+$0x0];
	[tilespmem:s19+$0x0 ss:$0x81] =	vst.msk $0xffff, v2  }
0x32: {  	s19 =	sshra.s32 s22, $0x2;
	v2 =	vld [tilespmem:s21+$0xFFFFFFE0]  }
0x33: {  	s19 =	sadd.s32 s19, s18  }
0x34: {  	s21 =	sadd.s32 $0x40, s21;
	[tilespmem:s19+$0x1830 ss:$0x81] =	vst.msk $0xffff, v3  }
.Ltmp4:
0x35: {  	(pc) =	sbr.rel @p1 .LBB1_3-.Ltmp4, $4  }
0x36: {  	_ = 	snop  }
0x37: {  	[tilespmem:s19+$0x810 ss:$0x81] =	vst.msk $0xffff, v1  }
0x38: {  	[tilespmem:s19+$0x1020 ss:$0x81] =	vst.msk $0xffff, v0  }
0x39: {  	s18 =	simm.s32 $0x1;
	p2 =	por $0x0, $0x0;
	[tilespmem:s19+$0x0 ss:$0x81] =	vst.msk $0xffff, v2  }
.Ltmp5:
0x3a: {  	(pc) =	sbr.rel .LBB1_7-.Ltmp5, $4  }
0x3b: {  	s14 =	sshll.u32 s14, $0xF  }
0x3c: {  	s14 =	sadd.s32 s3, s14  }
0x3d: {  	s13 =	sadd.s32 s13, s14  }
0x3e: {  	[hbm4b:s13+s9] =	stream.strided.scatter [tilespmem:s15], [sflag:$0x2], $0x4000, s10, s9, $0x20;
	[tilespmem:$0x10100] =	vst v63  }
.LBB1_8:
0x3f: {  	_ =	sfence.sel $0x180000  }
0x40: {  	s2 =	simm.s32 $0x1;
	[bflag:$0x0] =	sbarrier.arrive $0xFFFF  }
0x41: {  	s31 =	simm.s32 $0x2;
	[sflag:s2] =	ssyncpa.u1 $0x1  }
0x42: {  	[sflag:s31] =	ssyncpa.u1 $0x1  }
0x43: {  	p0 =	sne.s32 s0, $0x0;
	_ =	strace $0x9000004A  }
0x44: {  	s0 =	sadd.s32 @!p0 $0x100000, s1;
	[bflag:$0x2] =	sbarrier.arrive $0xFFFF  }
0x45: {  	[sflag:s0] =	ssyncadd.tile.s32 @!p0 $0x1;
	_ =	shalt  }
.Lfunc_end1:
_tile_overlayer_lowered:
.L_overlay_start_2:
0x46: {  	(tag) =	ssettag $0x2  }
0x47: {  	s0 =	rddreg [dreg:$0x0];
	s2 =	stileid.u32  }
0x48: {  	s1 =	rddreg [dreg:$0x1];
	p0 =	sne.s32 s2, $0x0  }
0x49: {  	s3 =	rddreg [dreg:$0x2];
	[bflag:$0x3] =	sbarrier.arrive $0xFFFF;
	s2 =	simm.s32 @!p0 $0x1C01  }
0x4a: {  	[timem:s3], [sflag:s2] =	dma.local @!p0 [hbm:s0], s1  }
0x4b: {  	s0 =	simm.s32 @!p0 $0x1  }
0x4c: {  	_ =	swait.ge @!p0 [sflag:s0], s1  }
0x4d: {  	s1 =	ssub.s32 @!p0 $0x0, s1;
	[sflag:s0] =	ssyncset.done @!p0 $0x0  }
0x4e: {  	[sflag:s0] =	ssyncadd.s32 @!p0 s1  }
0x4f: {  	[bflag:$0x3] =	sbarrier.arrive $0xFFFF  }
0x50: {  	_ =	shalt  }

</sc_bundles>
